<compile_context>
chip_gen: v7x
topology: tpu7x:2x2x1
jax: 0.10.2.dev20260603
libtpu: 0.0.44.dev20260713+nightly
codegen_flags: <defaults>
</compile_context>

<pallas_src>
import dataclasses
import functools

import jax
import jax.numpy as jnp
from jax import lax
from jax.experimental import pallas as pl
from jax.experimental.pallas import tpu as pltpu
from jax.experimental.pallas import tpu_sc as plsc

NC = 2
NS = 16
NW = NC * NS
L = 16

def _sc_params(tc_tiling=True):
    cp = pltpu.CompilerParams()
    fields = pltpu.CompilerParams.__dataclass_fields__
    if "needs_layout_passes" in fields:
        cp = dataclasses.replace(cp, needs_layout_passes=False)
    if not tc_tiling and "use_tc_tiling_on_sc" in fields:
        cp = dataclasses.replace(cp, use_tc_tiling_on_sc=False)
    return cp


@functools.cache
def _sc_mesh():
    return plsc.VectorSubcoreMesh(core_axis_name="c", subcore_axis_name="s",
                                  num_cores=NC, num_subcores=NS)


def _deg_body(n_pad, epw, dst_hbm, out_hbm, dstbuf, hist, ones16, zeros16):
    cid = lax.axis_index("c")
    sid = lax.axis_index("s")
    wid = cid * NS + sid

    pltpu.sync_copy(dst_hbm.at[wid], dstbuf)

    @pl.loop(0, n_pad // L)
    def _(i):
        hist[pl.ds(i * L, L)] = zeros16

    @pl.loop(0, epw // L)
    def _(i):
        idx = dstbuf[pl.ds(i * L, L)]
        plsc.addupdate_scatter(hist, [idx], ones16)

    pltpu.sync_copy(hist, out_hbm.at[wid])


def _sc_degree(dst_flat, n_pad):
    nw, epw = dst_flat.shape

    def body(dst_hbm, out_hbm, dstbuf, hist):
        ones16 = jnp.full((L,), 1.0, jnp.float32)
        zeros16 = jnp.zeros((L,), jnp.float32)
        _deg_body(n_pad, epw, dst_hbm, out_hbm, dstbuf, hist, ones16, zeros16)

    return pl.kernel(
        body,
        out_type=jax.ShapeDtypeStruct((NW, n_pad), jnp.float32),
        mesh=_sc_mesh(),
        compiler_params=_sc_params(),
        scratch_types=[
            pltpu.VMEM((epw,), jnp.int32),
            pltpu.VMEM((n_pad,), jnp.float32),
        ],
    )(dst_flat)


def _gsa_body(n_pad, nch, rows_hbm, src_hbm, dst_hbm, zeros_hbm, out_hbm,
              srcbuf, dstbuf, rows_v, acc):
    cid = lax.axis_index("c")
    sid = lax.axis_index("s")
    wid = cid * NS + sid
    rpt = n_pad // NS

    pltpu.sync_copy(src_hbm.at[wid], srcbuf)
    pltpu.sync_copy(dst_hbm.at[wid], dstbuf)

    pltpu.sync_copy(zeros_hbm.at[pl.ds(sid * rpt, rpt)],
                    acc.at[pl.ds(sid * rpt, rpt)])
    plsc.subcore_barrier()

    @pl.loop(0, nch)
    def _(ch):
        pltpu.sync_copy(rows_hbm.at[srcbuf.at[ch]], rows_v)
        pltpu.sync_copy(rows_v, acc.at[dstbuf.at[ch]], add=True)

    plsc.subcore_barrier()
    pltpu.sync_copy(acc.at[pl.ds(sid * rpt, rpt)],
                    out_hbm.at[cid].at[pl.ds(sid * rpt, rpt)])


def _sc_gather_scatter_add(rows, src2d, dst2d, zeros, n_pad, d):
    nw, nch, c = src2d.shape

    body = functools.partial(_gsa_body, n_pad, nch)
    return pl.kernel(
        body,
        out_type=jax.ShapeDtypeStruct((NC, n_pad, d), jnp.float32),
        mesh=_sc_mesh(),
        compiler_params=_sc_params(),
        scratch_types=[
            pltpu.VMEM((nch, c), jnp.int32),
            pltpu.VMEM((nch, c), jnp.int32),
            pltpu.VMEM((c, d), jnp.float32),
            pltpu.VMEM_SHARED((n_pad, d), jnp.float32),
        ],
    )(rows, src2d, dst2d, zeros)


def _prescale_body(dp_ref, x_ref, xs_ref, dinv_ref):
    deg = jnp.sum(dp_ref[...], axis=0)
    dinv = lax.rsqrt(jnp.maximum(deg, 1.0))[:, None]
    xs_ref[...] = x_ref[...] * dinv
    dinv_ref[...] = dinv


def _tc_prescale(deg_parts, x_pad):
    n_pad, d = x_pad.shape
    return pl.pallas_call(
        _prescale_body,
        out_shape=(jax.ShapeDtypeStruct((n_pad, d), jnp.float32),
                   jax.ShapeDtypeStruct((n_pad, 1), jnp.float32)),
    )(deg_parts, x_pad)


def _mid_body(acc_ref, dinv_ref, w_ref, b_ref, out_ref):
    a = (acc_ref[0] + acc_ref[1]) * dinv_ref[...]
    h = jnp.dot(a.astype(jnp.bfloat16), w_ref[...].astype(jnp.bfloat16),
                preferred_element_type=jnp.float32)
    h = jnp.maximum(h + b_ref[...], 0.0)
    out_ref[...] = h * dinv_ref[...]


def _tc_mid(acc, dinv, w1, b1):
    _, n_pad, d = acc.shape
    return pl.pallas_call(
        _mid_body,
        out_shape=jax.ShapeDtypeStruct((n_pad, d), jnp.float32),
    )(acc, dinv, w1, b1.reshape(1, d))


def _final_body(acc_ref, dinv_ref, w_ref, b_ref, u_ref, out_ref):
    a = (acc_ref[0] + acc_ref[1]) * dinv_ref[...]
    o = jnp.dot(a.astype(jnp.bfloat16), w_ref[...].astype(jnp.bfloat16),
                preferred_element_type=jnp.float32) + b_ref[...]
    out_ref[...] = (u_ref[...] <= o[None]).astype(jnp.float32)


def _tc_final(acc, dinv, w2, b2, u):
    t, n, d = u.shape
    blk_n = 2000
    grid = (n // blk_n,)
    return pl.pallas_call(
        _final_body,
        grid=grid,
        in_specs=[
            pl.BlockSpec((NC, blk_n, d), lambda i: (0, i, 0)),
            pl.BlockSpec((blk_n, 1), lambda i: (i, 0)),
            pl.BlockSpec((d, d), lambda i: (0, 0)),
            pl.BlockSpec((1, d), lambda i: (0, 0)),
            pl.BlockSpec((t, blk_n, d), lambda i: (0, i, 0)),
        ],
        out_specs=pl.BlockSpec((t, blk_n, d), lambda i: (0, i, 0)),
        out_shape=jax.ShapeDtypeStruct((t, n, d), jnp.float32),
    )(acc, dinv, w2, b2.reshape(1, d), u)


def kernel(x, edge_index, W1, b1, W2, b2):
    n, d = x.shape
    e = edge_index.shape[1]
    t_steps = 4
    chunk = 128

    n_pad = ((n + 1 + NS * 8 - 1) // (NS * 8)) * (NS * 8)
    nch = -(-e // (NW * chunk))
    epw = nch * chunk
    e_pad = epw * NW

    src = edge_index[0]
    dst = edge_index[1]
    src_p = jnp.concatenate([src, jnp.zeros((e_pad - e,), jnp.int32)])
    dst_p = jnp.concatenate([dst, jnp.full((e_pad - e,), n, jnp.int32)])
    src2d = src_p.reshape(NW, nch, chunk)
    dst2d = dst_p.reshape(NW, nch, chunk)
    dst_flat = dst_p.reshape(NW, epw)

    x_pad = jnp.pad(x, ((0, n_pad - n), (0, 0)))
    zeros = jnp.zeros((n_pad, d), jnp.float32)

    deg_parts = _sc_degree(dst_flat, n_pad)
    xs, dinv = _tc_prescale(deg_parts, x_pad)

    acc1 = _sc_gather_scatter_add(xs, src2d, dst2d, zeros, n_pad, d)
    hs = _tc_mid(acc1, dinv, W1, b1)

    acc2 = _sc_gather_scatter_add(hs, src2d, dst2d, zeros, n_pad, d)

    ekey = jax.random.key(42)
    u = jnp.stack([
        jax.random.uniform(jax.random.fold_in(ekey, t), (n, d),
                           dtype=jnp.float32)
        for t in range(t_steps)
    ])
    return _tc_final(acc2[:, :n], dinv[:n], W2, b2, u)

# --- scband reference (transcript-rebuilt; emitter-appended) ---
"""Pipeline reference for scband-poisson-spike-encoder-27144193311087 (READ-ONLY COPY).

The authoritative reference and input builder live on the scoring server;
editing this copy changes nothing except your own understanding.
"""

import jax, jax.numpy as jnp
import numpy as np

N = 10000
E = 320000
D_IN = 128
D_HID = 128
D_OUT = 128
T = 4


def setup_inputs(seed: int = 0) -> dict:
    key = jax.random.key(seed)
    ks = jax.random.split(key, 6)
    x = jax.random.uniform(ks[0], (N, D_IN), dtype=jnp.float32)
    edge_index = jax.random.randint(ks[1], (2, E), 0, N, dtype=jnp.int32)
    W1 = jax.random.normal(ks[2], (D_IN, D_HID), dtype=jnp.float32) * (1.0 / np.sqrt(D_IN))
    b1 = jnp.zeros((D_HID,), dtype=jnp.float32)
    W2 = jax.random.normal(ks[3], (D_HID, D_OUT), dtype=jnp.float32) * (1.0 / np.sqrt(D_HID))
    b2 = jnp.zeros((D_OUT,), dtype=jnp.float32)
    return {"x": x, "edge_index": edge_index, "W1": W1, "b1": b1, "W2": W2, "b2": b2}


def _gcn_layer(x, src, dst, W, b):
    # symmetric-norm GCN conv: agg_j = sum_{(i->j)} x_i / sqrt(deg_i * deg_j), then linear
    ones = jnp.ones((src.shape[0],), dtype=jnp.float32)
    deg = jax.ops.segment_sum(ones, dst, num_segments=N)
    deg = jnp.maximum(deg, 1.0)
    norm = jax.lax.rsqrt(deg[src] * deg[dst])
    m = x[src] * norm[:, None]
    agg = jax.ops.segment_sum(m, dst, num_segments=N)
    return agg @ W + b


def reference(x, edge_index, W1, b1, W2, b2):
    src = edge_index[0]
    dst = edge_index[1]
    h = jax.nn.relu(_gcn_layer(x, src, dst, W1, b1))
    h = _gcn_layer(h, src, dst, W2, b2)
    # PoissonEncoder over T timesteps: spike_t = (U_t <= h), U_t ~ Uniform[0,1)
    ekey = jax.random.key(42)
    t_output = []
    for t in range(T):
        u = jax.random.uniform(jax.random.fold_in(ekey, t), h.shape, dtype=jnp.float32)
        t_output.append((u <= h).astype(jnp.float32))
    spike_output = jnp.stack(t_output, axis=0)
    return spike_output

if __name__ == "__main__":
    import jax
    _d = setup_inputs()
    print(jax.jit(kernel)(*tuple(_d.values())))

</pallas_src>

<mosaic_0001>
#map = affine_map<(d0, d1) -> (0, 0)>
#map1 = affine_map<(d0, d1) -> (0, 0, 0)>
module attributes {stable_mosaic.version = 14 : i64} {
  func.func @_gsa_body(%arg0: i32, %arg1: i32, %arg2: memref<10112x128xf32, #tpu.memory_space<hbm>>, %arg3: memref<32x79x128xi32, #tpu.memory_space<hbm>>, %arg4: memref<32x79x128xi32, #tpu.memory_space<hbm>>, %arg5: memref<10112x128xf32, #tpu.memory_space<hbm>>, %arg6: memref<2x10112x128xf32, #tpu.memory_space<hbm>>, %arg7: memref<79x128xi32, #tpu.memory_space<vmem>>, %arg8: memref<79x128xi32, #tpu.memory_space<vmem>>, %arg9: memref<128x128xf32, #tpu.memory_space<vmem>>, %arg10: memref<10112x128xf32, #tpu.memory_space<vmem_shared>>) attributes {dimension_semantics = [#tpu.dimension_semantics<core_parallel>, #tpu.dimension_semantics<subcore_parallel>], iteration_bounds = array<i64: 2, 16>, scalar_prefetch = 0 : i64, scratch_operands = 4 : i64, tpu.core_type = #tpu.core_type<sc_vector_subcore>, window_params = [{transform_indices = #map}, {transform_indices = #map1}, {transform_indices = #map1}, {transform_indices = #map}, {transform_indices = #map1}]} {
    %mul3A = arith.constant 16 : i32
    %mul3A_0 = arith.muli %arg0, %mul3A : i32
    %add3A = arith.addi %mul3A_0, %arg1 : i32
    "tpu.region"() ({
      %run_scoped3A = tpu.sem_alloc : memref<!tpu.dma_semaphore, #tpu.memory_space<semaphore_mem>>
      %dma_start3A = arith.constant 0 : i32
      %dma_start3A_14 = arith.constant 0 : i32
      %dma_start3A_15 = tpu.memref_slice %arg3[%add3A, %dma_start3A, %dma_start3A_14] : memref<32x79x128xi32, #tpu.memory_space<hbm>> -> memref<1x79x128xi32, #tpu.memory_space<hbm>>
      %dma_start3A_16 = tpu.memref_squeeze %dma_start3A_15 : memref<1x79x128xi32, #tpu.memory_space<hbm>> -> memref<79x128xi32, #tpu.memory_space<hbm>>
      %dma_start3A_17 = arith.constant 0 : i32
      %dma_start3A_18 = arith.constant 0 : i32
      %dma_start3A_19 = tpu.memref_slice %arg3[%add3A, %dma_start3A_17, %dma_start3A_18] : memref<32x79x128xi32, #tpu.memory_space<hbm>> -> memref<1x79x128xi32, #tpu.memory_space<hbm>>
      %dma_start3A_20 = tpu.memref_squeeze %dma_start3A_19 : memref<1x79x128xi32, #tpu.memory_space<hbm>> -> memref<79x128xi32, #tpu.memory_space<hbm>>
      tpu.enqueue_dma source(%dma_start3A_20 : memref<79x128xi32, #tpu.memory_space<hbm>>) target(%arg7 : memref<79x128xi32, #tpu.memory_space<vmem>>) target_semaphore(%run_scoped3A : memref<!tpu.dma_semaphore, #tpu.memory_space<semaphore_mem>>)
      %dma_wait3A = arith.constant 0 : i32
      %dma_wait3A_21 = arith.constant 0 : i32
      %dma_wait3A_22 = tpu.memref_slice %arg3[%add3A, %dma_wait3A, %dma_wait3A_21] : memref<32x79x128xi32, #tpu.memory_space<hbm>> -> memref<1x79x128xi32, #tpu.memory_space<hbm>>
      %dma_wait3A_23 = tpu.memref_squeeze %dma_wait3A_22 : memref<1x79x128xi32, #tpu.memory_space<hbm>> -> memref<79x128xi32, #tpu.memory_space<hbm>>
      %dma_wait3A_24 = arith.constant 0 : i32
      %dma_wait3A_25 = arith.constant 0 : i32
      %dma_wait3A_26 = tpu.memref_slice %arg3[%add3A, %dma_wait3A_24, %dma_wait3A_25] : memref<32x79x128xi32, #tpu.memory_space<hbm>> -> memref<1x79x128xi32, #tpu.memory_space<hbm>>
      %dma_wait3A_27 = tpu.memref_squeeze %dma_wait3A_26 : memref<1x79x128xi32, #tpu.memory_space<hbm>> -> memref<79x128xi32, #tpu.memory_space<hbm>>
      tpu.wait_dma2 semaphore(%run_scoped3A : memref<!tpu.dma_semaphore, #tpu.memory_space<semaphore_mem>>) src(%dma_wait3A_27 : memref<79x128xi32, #tpu.memory_space<hbm>>) dst(%arg7 : memref<79x128xi32, #tpu.memory_space<vmem>>)
      tpu.yield
    }) : () -> ()
    "tpu.region"() ({
      %run_scoped3A = tpu.sem_alloc : memref<!tpu.dma_semaphore, #tpu.memory_space<semaphore_mem>>
      %dma_start3A = arith.constant 0 : i32
      %dma_start3A_14 = arith.constant 0 : i32
      %dma_start3A_15 = tpu.memref_slice %arg4[%add3A, %dma_start3A, %dma_start3A_14] : memref<32x79x128xi32, #tpu.memory_space<hbm>> -> memref<1x79x128xi32, #tpu.memory_space<hbm>>
      %dma_start3A_16 = tpu.memref_squeeze %dma_start3A_15 : memref<1x79x128xi32, #tpu.memory_space<hbm>> -> memref<79x128xi32, #tpu.memory_space<hbm>>
      %dma_start3A_17 = arith.constant 0 : i32
      %dma_start3A_18 = arith.constant 0 : i32
      %dma_start3A_19 = tpu.memref_slice %arg4[%add3A, %dma_start3A_17, %dma_start3A_18] : memref<32x79x128xi32, #tpu.memory_space<hbm>> -> memref<1x79x128xi32, #tpu.memory_space<hbm>>
      %dma_start3A_20 = tpu.memref_squeeze %dma_start3A_19 : memref<1x79x128xi32, #tpu.memory_space<hbm>> -> memref<79x128xi32, #tpu.memory_space<hbm>>
      tpu.enqueue_dma source(%dma_start3A_20 : memref<79x128xi32, #tpu.memory_space<hbm>>) target(%arg8 : memref<79x128xi32, #tpu.memory_space<vmem>>) target_semaphore(%run_scoped3A : memref<!tpu.dma_semaphore, #tpu.memory_space<semaphore_mem>>)
      %dma_wait3A = arith.constant 0 : i32
      %dma_wait3A_21 = arith.constant 0 : i32
      %dma_wait3A_22 = tpu.memref_slice %arg4[%add3A, %dma_wait3A, %dma_wait3A_21] : memref<32x79x128xi32, #tpu.memory_space<hbm>> -> memref<1x79x128xi32, #tpu.memory_space<hbm>>
      %dma_wait3A_23 = tpu.memref_squeeze %dma_wait3A_22 : memref<1x79x128xi32, #tpu.memory_space<hbm>> -> memref<79x128xi32, #tpu.memory_space<hbm>>
      %dma_wait3A_24 = arith.constant 0 : i32
      %dma_wait3A_25 = arith.constant 0 : i32
      %dma_wait3A_26 = tpu.memref_slice %arg4[%add3A, %dma_wait3A_24, %dma_wait3A_25] : memref<32x79x128xi32, #tpu.memory_space<hbm>> -> memref<1x79x128xi32, #tpu.memory_space<hbm>>
      %dma_wait3A_27 = tpu.memref_squeeze %dma_wait3A_26 : memref<1x79x128xi32, #tpu.memory_space<hbm>> -> memref<79x128xi32, #tpu.memory_space<hbm>>
      tpu.wait_dma2 semaphore(%run_scoped3A : memref<!tpu.dma_semaphore, #tpu.memory_space<semaphore_mem>>) src(%dma_wait3A_27 : memref<79x128xi32, #tpu.memory_space<hbm>>) dst(%arg8 : memref<79x128xi32, #tpu.memory_space<vmem>>)
      tpu.yield
    }) : () -> ()
    %mul3A_1 = arith.constant 632 : i32
    %mul3A_2 = arith.muli %arg1, %mul3A_1 : i32
    %mul3A_3 = arith.constant 632 : i32
    %mul3A_4 = arith.muli %arg1, %mul3A_3 : i32
    "tpu.region"() ({
      %run_scoped3A = tpu.sem_alloc : memref<!tpu.dma_semaphore, #tpu.memory_space<semaphore_mem>>
      %dma_start3A = arith.constant 0 : i32
      %dma_start3A_14 = tpu.memref_slice %arg10[%mul3A_4, %dma_start3A] : memref<10112x128xf32, #tpu.memory_space<vmem_shared>> -> memref<632x128xf32, #tpu.memory_space<vmem_shared>>
      %dma_start3A_15 = arith.constant 0 : i32
      %dma_start3A_16 = tpu.memref_slice %arg5[%mul3A_2, %dma_start3A_15] : memref<10112x128xf32, #tpu.memory_space<hbm>> -> memref<632x128xf32, #tpu.memory_space<hbm>>
      tpu.enqueue_dma source(%dma_start3A_16 : memref<632x128xf32, #tpu.memory_space<hbm>>) target(%dma_start3A_14 : memref<632x128xf32, #tpu.memory_space<vmem_shared>>) target_semaphore(%run_scoped3A : memref<!tpu.dma_semaphore, #tpu.memory_space<semaphore_mem>>)
      %dma_wait3A = arith.constant 0 : i32
      %dma_wait3A_17 = tpu.memref_slice %arg10[%mul3A_4, %dma_wait3A] : memref<10112x128xf32, #tpu.memory_space<vmem_shared>> -> memref<632x128xf32, #tpu.memory_space<vmem_shared>>
      %dma_wait3A_18 = arith.constant 0 : i32
      %dma_wait3A_19 = tpu.memref_slice %arg5[%mul3A_2, %dma_wait3A_18] : memref<10112x128xf32, #tpu.memory_space<hbm>> -> memref<632x128xf32, #tpu.memory_space<hbm>>
      tpu.wait_dma2 semaphore(%run_scoped3A : memref<!tpu.dma_semaphore, #tpu.memory_space<semaphore_mem>>) src(%dma_wait3A_19 : memref<632x128xf32, #tpu.memory_space<hbm>>) dst(%dma_wait3A_17 : memref<632x128xf32, #tpu.memory_space<vmem_shared>>)
      tpu.yield
    }) : () -> ()
    %barrier3A = arith.constant 0 : index
    tpu.barrier barrier_id(%barrier3A)
    %scan3A = arith.constant 0 : i32
    %scan3A_5 = arith.constant 79 : i32
    %scan3A_6 = arith.addi %scan3A, %scan3A_5 : i32
    %scan3A_7 = arith.constant 1 : i32
    scf.for %scan3A_14 = %scan3A to %scan3A_6 step %scan3A_7  : i32 {
      %mul3A_15 = arith.constant 1 : i32
      %mul3A_16 = arith.muli %scan3A_14, %mul3A_15 : i32
      %add3A_17 = arith.constant 0 : i32
      %add3A_18 = arith.addi %add3A_17, %mul3A_16 : i32
      "tpu.region"() ({
        %run_scoped3A = tpu.sem_alloc : memref<!tpu.dma_semaphore, #tpu.memory_space<semaphore_mem>>
        %dma_start3A = arith.constant 0 : i32
        %dma_start3A_19 = tpu.memref_slice %arg7[%add3A_18, %dma_start3A] : memref<79x128xi32, #tpu.memory_space<vmem>> -> memref<1x128xi32, #tpu.memory_space<vmem>>
        %dma_start3A_20 = tpu.memref_squeeze %dma_start3A_19 : memref<1x128xi32, #tpu.memory_space<vmem>> -> memref<128xi32, #tpu.memory_space<vmem>>
        %dma_start3A_21 = arith.constant 0 : i32
        %dma_start3A_22 = arith.constant 0 : i32
        %dma_start3A_23 = tpu.memref_slice %arg2[%dma_start3A_21, %dma_start3A_22] : memref<10112x128xf32, #tpu.memory_space<hbm>> -> memref<10112x128xf32, #tpu.memory_space<hbm>>
        tpu.enqueue_indirect_dma source(%dma_start3A_23 : memref<10112x128xf32, #tpu.memory_space<hbm>>) target(%arg9 : memref<128x128xf32, #tpu.memory_space<vmem>>) offsets(%dma_start3A_20 : memref<128xi32, #tpu.memory_space<vmem>>) semaphore(%run_scoped3A : memref<!tpu.dma_semaphore, #tpu.memory_space<semaphore_mem>>)
        %dma_wait3A = arith.constant 0 : i32
        %dma_wait3A_24 = tpu.memref_slice %arg7[%add3A_18, %dma_wait3A] : memref<79x128xi32, #tpu.memory_space<vmem>> -> memref<1x128xi32, #tpu.memory_space<vmem>>
        %dma_wait3A_25 = tpu.memref_squeeze %dma_wait3A_24 : memref<1x128xi32, #tpu.memory_space<vmem>> -> memref<128xi32, #tpu.memory_space<vmem>>
        %dma_wait3A_26 = arith.constant 0 : i32
        %dma_wait3A_27 = arith.constant 0 : i32
        %dma_wait3A_28 = tpu.memref_slice %arg2[%dma_wait3A_26, %dma_wait3A_27] : memref<10112x128xf32, #tpu.memory_space<hbm>> -> memref<10112x128xf32, #tpu.memory_space<hbm>>
        tpu.wait_indirect_dma semaphore(%run_scoped3A : memref<!tpu.dma_semaphore, #tpu.memory_space<semaphore_mem>>) src(%dma_wait3A_28 : memref<10112x128xf32, #tpu.memory_space<hbm>>) dst(%arg9 : memref<128x128xf32, #tpu.memory_space<vmem>>)
        tpu.yield
      }) : () -> ()
      "tpu.region"() ({
        %run_scoped3A = tpu.sem_alloc : memref<!tpu.dma_semaphore, #tpu.memory_space<semaphore_mem>>
        %dma_start3A = arith.constant 0 : i32
        %dma_start3A_19 = tpu.memref_slice %arg8[%add3A_18, %dma_start3A] : memref<79x128xi32, #tpu.memory_space<vmem>> -> memref<1x128xi32, #tpu.memory_space<vmem>>
        %dma_start3A_20 = tpu.memref_squeeze %dma_start3A_19 : memref<1x128xi32, #tpu.memory_space<vmem>> -> memref<128xi32, #tpu.memory_space<vmem>>
        %dma_start3A_21 = arith.constant 0 : i32
        %dma_start3A_22 = arith.constant 0 : i32
        %dma_start3A_23 = tpu.memref_slice %arg10[%dma_start3A_21, %dma_start3A_22] : memref<10112x128xf32, #tpu.memory_space<vmem_shared>> -> memref<10112x128xf32, #tpu.memory_space<vmem_shared>>
        tpu.enqueue_indirect_dma source(%arg9 : memref<128x128xf32, #tpu.memory_space<vmem>>) target(%dma_start3A_23 : memref<10112x128xf32, #tpu.memory_space<vmem_shared>>) offsets(%dma_start3A_20 : memref<128xi32, #tpu.memory_space<vmem>>) semaphore(%run_scoped3A : memref<!tpu.dma_semaphore, #tpu.memory_space<semaphore_mem>>) {add = true}
        %dma_wait3A = arith.constant 0 : i32
        %dma_wait3A_24 = tpu.memref_slice %arg8[%add3A_18, %dma_wait3A] : memref<79x128xi32, #tpu.memory_space<vmem>> -> memref<1x128xi32, #tpu.memory_space<vmem>>
        %dma_wait3A_25 = tpu.memref_squeeze %dma_wait3A_24 : memref<1x128xi32, #tpu.memory_space<vmem>> -> memref<128xi32, #tpu.memory_space<vmem>>
        %dma_wait3A_26 = arith.constant 0 : i32
        %dma_wait3A_27 = arith.constant 0 : i32
        %dma_wait3A_28 = tpu.memref_slice %arg10[%dma_wait3A_26, %dma_wait3A_27] : memref<10112x128xf32, #tpu.memory_space<vmem_shared>> -> memref<10112x128xf32, #tpu.memory_space<vmem_shared>>
        tpu.wait_indirect_dma semaphore(%run_scoped3A : memref<!tpu.dma_semaphore, #tpu.memory_space<semaphore_mem>>) src(%arg9 : memref<128x128xf32, #tpu.memory_space<vmem>>) dst(%dma_wait3A_28 : memref<10112x128xf32, #tpu.memory_space<vmem_shared>>)
        tpu.yield
      }) : () -> ()
    }
    %scan3A_8 = arith.constant 79 : i32
    %barrier3A_9 = arith.constant 0 : index
    tpu.barrier barrier_id(%barrier3A_9)
    %mul3A_10 = arith.constant 632 : i32
    %mul3A_11 = arith.muli %arg1, %mul3A_10 : i32
    %mul3A_12 = arith.constant 632 : i32
    %mul3A_13 = arith.muli %arg1, %mul3A_12 : i32
    "tpu.region"() ({
      %run_scoped3A = tpu.sem_alloc : memref<!tpu.dma_semaphore, #tpu.memory_space<semaphore_mem>>
      %dma_start3A = arith.constant 0 : i32
      %dma_start3A_14 = arith.constant 0 : i32
      %dma_start3A_15 = tpu.memref_slice %arg6[%arg0, %dma_start3A, %dma_start3A_14] : memref<2x10112x128xf32, #tpu.memory_space<hbm>> -> memref<1x10112x128xf32, #tpu.memory_space<hbm>>
      %dma_start3A_16 = tpu.memref_squeeze %dma_start3A_15 : memref<1x10112x128xf32, #tpu.memory_space<hbm>> -> memref<10112x128xf32, #tpu.memory_space<hbm>>
      %dma_start3A_17 = arith.constant 0 : i32
      %dma_start3A_18 = tpu.memref_slice %dma_start3A_16[%mul3A_13, %dma_start3A_17] : memref<10112x128xf32, #tpu.memory_space<hbm>> -> memref<632x128xf32, #tpu.memory_space<hbm>>
      %dma_start3A_19 = arith.constant 0 : i32
      %dma_start3A_20 = tpu.memref_slice %arg10[%mul3A_11, %dma_start3A_19] : memref<10112x128xf32, #tpu.memory_space<vmem_shared>> -> memref<632x128xf32, #tpu.memory_space<vmem_shared>>
      tpu.enqueue_dma source(%dma_start3A_20 : memref<632x128xf32, #tpu.memory_space<vmem_shared>>) target(%dma_start3A_18 : memref<632x128xf32, #tpu.memory_space<hbm>>) target_semaphore(%run_scoped3A : memref<!tpu.dma_semaphore, #tpu.memory_space<semaphore_mem>>)
      %dma_wait3A = arith.constant 0 : i32
      %dma_wait3A_21 = arith.constant 0 : i32
      %dma_wait3A_22 = tpu.memref_slice %arg6[%arg0, %dma_wait3A, %dma_wait3A_21] : memref<2x10112x128xf32, #tpu.memory_space<hbm>> -> memref<1x10112x128xf32, #tpu.memory_space<hbm>>
      %dma_wait3A_23 = tpu.memref_squeeze %dma_wait3A_22 : memref<1x10112x128xf32, #tpu.memory_space<hbm>> -> memref<10112x128xf32, #tpu.memory_space<hbm>>
      %dma_wait3A_24 = arith.constant 0 : i32
      %dma_wait3A_25 = tpu.memref_slice %dma_wait3A_23[%mul3A_13, %dma_wait3A_24] : memref<10112x128xf32, #tpu.memory_space<hbm>> -> memref<632x128xf32, #tpu.memory_space<hbm>>
      %dma_wait3A_26 = arith.constant 0 : i32
      %dma_wait3A_27 = tpu.memref_slice %arg10[%mul3A_11, %dma_wait3A_26] : memref<10112x128xf32, #tpu.memory_space<vmem_shared>> -> memref<632x128xf32, #tpu.memory_space<vmem_shared>>
      tpu.wait_dma2 semaphore(%run_scoped3A : memref<!tpu.dma_semaphore, #tpu.memory_space<semaphore_mem>>) src(%dma_wait3A_27 : memref<632x128xf32, #tpu.memory_space<vmem_shared>>) dst(%dma_wait3A_25 : memref<632x128xf32, #tpu.memory_space<hbm>>)
      tpu.yield
    }) : () -> ()
    return
  }
}

#map = affine_map<(d0, d1) -> (0, 0)>
module attributes {stable_mosaic.version = 14 : i64} {
  func.func @body(%arg0: i32, %arg1: i32, %arg2: memref<32x10112xi32, #tpu.memory_space<hbm>>, %arg3: memref<32x10112xf32, #tpu.memory_space<hbm>>, %arg4: memref<10112xi32, #tpu.memory_space<vmem>>, %arg5: memref<10112xf32, #tpu.memory_space<vmem>>) attributes {dimension_semantics = [#tpu.dimension_semantics<core_parallel>, #tpu.dimension_semantics<subcore_parallel>], iteration_bounds = array<i64: 2, 16>, scalar_prefetch = 0 : i64, scratch_operands = 2 : i64, tpu.core_type = #tpu.core_type<sc_vector_subcore>, window_params = [{transform_indices = #map}, {transform_indices = #map}]} {
    %broadcast_in_dim3A = arith.constant 1.000000e+00 : f32
    %broadcast_in_dim3A_0 = vector.broadcast %broadcast_in_dim3A : f32 to vector<16xf32>
    %broadcast_in_dim3A_1 = arith.constant 0.000000e+00 : f32
    %broadcast_in_dim3A_2 = vector.broadcast %broadcast_in_dim3A_1 : f32 to vector<16xf32>
    %mul3A = arith.constant 16 : i32
    %mul3A_3 = arith.muli %arg0, %mul3A : i32
    %add3A = arith.addi %mul3A_3, %arg1 : i32
    "tpu.region"() ({
      %run_scoped3A = tpu.sem_alloc : memref<!tpu.dma_semaphore, #tpu.memory_space<semaphore_mem>>
      %dma_start3A = arith.constant 0 : i32
      %dma_start3A_13 = tpu.memref_slice %arg2[%add3A, %dma_start3A] : memref<32x10112xi32, #tpu.memory_space<hbm>> -> memref<1x10112xi32, #tpu.memory_space<hbm>>
      %dma_start3A_14 = tpu.memref_squeeze %dma_start3A_13 : memref<1x10112xi32, #tpu.memory_space<hbm>> -> memref<10112xi32, #tpu.memory_space<hbm>>
      %dma_start3A_15 = arith.constant 0 : i32
      %dma_start3A_16 = tpu.memref_slice %arg2[%add3A, %dma_start3A_15] : memref<32x10112xi32, #tpu.memory_space<hbm>> -> memref<1x10112xi32, #tpu.memory_space<hbm>>
      %dma_start3A_17 = tpu.memref_squeeze %dma_start3A_16 : memref<1x10112xi32, #tpu.memory_space<hbm>> -> memref<10112xi32, #tpu.memory_space<hbm>>
      tpu.enqueue_dma source(%dma_start3A_17 : memref<10112xi32, #tpu.memory_space<hbm>>) target(%arg4 : memref<10112xi32, #tpu.memory_space<vmem>>) target_semaphore(%run_scoped3A : memref<!tpu.dma_semaphore, #tpu.memory_space<semaphore_mem>>)
      %dma_wait3A = arith.constant 0 : i32
      %dma_wait3A_18 = tpu.memref_slice %arg2[%add3A, %dma_wait3A] : memref<32x10112xi32, #tpu.memory_space<hbm>> -> memref<1x10112xi32, #tpu.memory_space<hbm>>
      %dma_wait3A_19 = tpu.memref_squeeze %dma_wait3A_18 : memref<1x10112xi32, #tpu.memory_space<hbm>> -> memref<10112xi32, #tpu.memory_space<hbm>>
      %dma_wait3A_20 = arith.constant 0 : i32
      %dma_wait3A_21 = tpu.memref_slice %arg2[%add3A, %dma_wait3A_20] : memref<32x10112xi32, #tpu.memory_space<hbm>> -> memref<1x10112xi32, #tpu.memory_space<hbm>>
      %dma_wait3A_22 = tpu.memref_squeeze %dma_wait3A_21 : memref<1x10112xi32, #tpu.memory_space<hbm>> -> memref<10112xi32, #tpu.memory_space<hbm>>
      tpu.wait_dma2 semaphore(%run_scoped3A : memref<!tpu.dma_semaphore, #tpu.memory_space<semaphore_mem>>) src(%dma_wait3A_22 : memref<10112xi32, #tpu.memory_space<hbm>>) dst(%arg4 : memref<10112xi32, #tpu.memory_space<vmem>>)
      tpu.yield
    }) : () -> ()
    %scan3A = arith.constant 0 : i32
    %scan3A_4 = arith.constant 632 : i32
    %scan3A_5 = arith.addi %scan3A, %scan3A_4 : i32
    %scan3A_6 = arith.constant 1 : i32
    scf.for %scan3A_13 = %scan3A to %scan3A_5 step %scan3A_6  : i32 {
      %mul3A_14 = arith.constant 1 : i32
      %mul3A_15 = arith.muli %scan3A_13, %mul3A_14 : i32
      %add3A_16 = arith.constant 0 : i32
      %add3A_17 = arith.addi %add3A_16, %mul3A_15 : i32
      %mul3A_18 = arith.constant 16 : i32
      %mul3A_19 = arith.muli %add3A_17, %mul3A_18 : i32
      %swap3A = arith.index_cast %mul3A_19 : i32 to index
      %swap3A_20 = tpu.vector_load %arg5[%swap3A] {strides = array<i32>} : memref<10112xf32, #tpu.memory_space<vmem>>, vector<16xf32>,
      tpu.vector_store %arg5[%swap3A], %broadcast_in_dim3A_2 {strides = array<i32>} : memref<10112xf32, #tpu.memory_space<vmem>>, vector<16xf32>,
    }
    %scan3A_7 = arith.constant 632 : i32
    %scan3A_8 = arith.constant 0 : i32
    %scan3A_9 = arith.constant 632 : i32
    %scan3A_10 = arith.addi %scan3A_8, %scan3A_9 : i32
    %scan3A_11 = arith.constant 1 : i32
    scf.for %scan3A_13 = %scan3A_8 to %scan3A_10 step %scan3A_11  : i32 {
      %mul3A_14 = arith.constant 1 : i32
      %mul3A_15 = arith.muli %scan3A_13, %mul3A_14 : i32
      %add3A_16 = arith.constant 0 : i32
      %add3A_17 = arith.addi %add3A_16, %mul3A_15 : i32
      %mul3A_18 = arith.constant 16 : i32
      %mul3A_19 = arith.muli %add3A_17, %mul3A_18 : i32
      %get3A = arith.index_cast %mul3A_19 : i32 to index
      %get3A_20 = tpu.vector_load %arg4[%get3A] {strides = array<i32>} : memref<10112xi32, #tpu.memory_space<vmem>>, vector<16xi32>,
      tpu.vector_store_idx %arg5[%get3A_20], %broadcast_in_dim3A_0 {add = true} : memref<10112xf32, #tpu.memory_space<vmem>>[vector<16xi32>], vector<16xf32>,
    }
    %scan3A_12 = arith.constant 632 : i32
    "tpu.region"() ({
      %run_scoped3A = tpu.sem_alloc : memref<!tpu.dma_semaphore, #tpu.memory_space<semaphore_mem>>
      %dma_start3A = arith.constant 0 : i32
      %dma_start3A_13 = tpu.memref_slice %arg3[%add3A, %dma_start3A] : memref<32x10112xf32, #tpu.memory_space<hbm>> -> memref<1x10112xf32, #tpu.memory_space<hbm>>
      %dma_start3A_14 = tpu.memref_squeeze %dma_start3A_13 : memref<1x10112xf32, #tpu.memory_space<hbm>> -> memref<10112xf32, #tpu.memory_space<hbm>>
      %dma_start3A_15 = arith.constant 0 : i32
      %dma_start3A_16 = tpu.memref_slice %arg3[%add3A, %dma_start3A_15] : memref<32x10112xf32, #tpu.memory_space<hbm>> -> memref<1x10112xf32, #tpu.memory_space<hbm>>
      %dma_start3A_17 = tpu.memref_squeeze %dma_start3A_16 : memref<1x10112xf32, #tpu.memory_space<hbm>> -> memref<10112xf32, #tpu.memory_space<hbm>>
      tpu.enqueue_dma source(%arg5 : memref<10112xf32, #tpu.memory_space<vmem>>) target(%dma_start3A_17 : memref<10112xf32, #tpu.memory_space<hbm>>) target_semaphore(%run_scoped3A : memref<!tpu.dma_semaphore, #tpu.memory_space<semaphore_mem>>)
      %dma_wait3A = arith.constant 0 : i32
      %dma_wait3A_18 = tpu.memref_slice %arg3[%add3A, %dma_wait3A] : memref<32x10112xf32, #tpu.memory_space<hbm>> -> memref<1x10112xf32, #tpu.memory_space<hbm>>
      %dma_wait3A_19 = tpu.memref_squeeze %dma_wait3A_18 : memref<1x10112xf32, #tpu.memory_space<hbm>> -> memref<10112xf32, #tpu.memory_space<hbm>>
      %dma_wait3A_20 = arith.constant 0 : i32
      %dma_wait3A_21 = tpu.memref_slice %arg3[%add3A, %dma_wait3A_20] : memref<32x10112xf32, #tpu.memory_space<hbm>> -> memref<1x10112xf32, #tpu.memory_space<hbm>>
      %dma_wait3A_22 = tpu.memref_squeeze %dma_wait3A_21 : memref<1x10112xf32, #tpu.memory_space<hbm>> -> memref<10112xf32, #tpu.memory_space<hbm>>
      tpu.wait_dma2 semaphore(%run_scoped3A : memref<!tpu.dma_semaphore, #tpu.memory_space<semaphore_mem>>) src(%arg5 : memref<10112xf32, #tpu.memory_space<vmem>>) dst(%dma_wait3A_22 : memref<10112xf32, #tpu.memory_space<hbm>>)
      tpu.yield
    }) : () -> ()
    return
  }
}

#map = affine_map<(d0, d1) -> (0, 0)>
#map1 = affine_map<(d0, d1) -> (0, 0, 0)>
module attributes {stable_mosaic.version = 14 : i64} {
  func.func @_gsa_body(%arg0: i32, %arg1: i32, %arg2: memref<10112x128xf32, #tpu.memory_space<hbm>>, %arg3: memref<32x79x128xi32, #tpu.memory_space<hbm>>, %arg4: memref<32x79x128xi32, #tpu.memory_space<hbm>>, %arg5: memref<10112x128xf32, #tpu.memory_space<hbm>>, %arg6: memref<2x10112x128xf32, #tpu.memory_space<hbm>>, %arg7: memref<79x128xi32, #tpu.memory_space<vmem>>, %arg8: memref<79x128xi32, #tpu.memory_space<vmem>>, %arg9: memref<128x128xf32, #tpu.memory_space<vmem>>, %arg10: memref<10112x128xf32, #tpu.memory_space<vmem_shared>>) attributes {dimension_semantics = [#tpu.dimension_semantics<core_parallel>, #tpu.dimension_semantics<subcore_parallel>], iteration_bounds = array<i64: 2, 16>, scalar_prefetch = 0 : i64, scratch_operands = 4 : i64, tpu.core_type = #tpu.core_type<sc_vector_subcore>, window_params = [{transform_indices = #map}, {transform_indices = #map1}, {transform_indices = #map1}, {transform_indices = #map}, {transform_indices = #map1}]} {
    %mul3A = arith.constant 16 : i32
    %mul3A_0 = arith.muli %arg0, %mul3A : i32
    %add3A = arith.addi %mul3A_0, %arg1 : i32
    "tpu.region"() ({
      %run_scoped3A = tpu.sem_alloc : memref<!tpu.dma_semaphore, #tpu.memory_space<semaphore_mem>>
      %dma_start3A = arith.constant 0 : i32
      %dma_start3A_14 = arith.constant 0 : i32
      %dma_start3A_15 = tpu.memref_slice %arg3[%add3A, %dma_start3A, %dma_start3A_14] : memref<32x79x128xi32, #tpu.memory_space<hbm>> -> memref<1x79x128xi32, #tpu.memory_space<hbm>>
      %dma_start3A_16 = tpu.memref_squeeze %dma_start3A_15 : memref<1x79x128xi32, #tpu.memory_space<hbm>> -> memref<79x128xi32, #tpu.memory_space<hbm>>
      %dma_start3A_17 = arith.constant 0 : i32
      %dma_start3A_18 = arith.constant 0 : i32
      %dma_start3A_19 = tpu.memref_slice %arg3[%add3A, %dma_start3A_17, %dma_start3A_18] : memref<32x79x128xi32, #tpu.memory_space<hbm>> -> memref<1x79x128xi32, #tpu.memory_space<hbm>>
      %dma_start3A_20 = tpu.memref_squeeze %dma_start3A_19 : memref<1x79x128xi32, #tpu.memory_space<hbm>> -> memref<79x128xi32, #tpu.memory_space<hbm>>
      tpu.enqueue_dma source(%dma_start3A_20 : memref<79x128xi32, #tpu.memory_space<hbm>>) target(%arg7 : memref<79x128xi32, #tpu.memory_space<vmem>>) target_semaphore(%run_scoped3A : memref<!tpu.dma_semaphore, #tpu.memory_space<semaphore_mem>>)
      %dma_wait3A = arith.constant 0 : i32
      %dma_wait3A_21 = arith.constant 0 : i32
      %dma_wait3A_22 = tpu.memref_slice %arg3[%add3A, %dma_wait3A, %dma_wait3A_21] : memref<32x79x128xi32, #tpu.memory_space<hbm>> -> memref<1x79x128xi32, #tpu.memory_space<hbm>>
      %dma_wait3A_23 = tpu.memref_squeeze %dma_wait3A_22 : memref<1x79x128xi32, #tpu.memory_space<hbm>> -> memref<79x128xi32, #tpu.memory_space<hbm>>
      %dma_wait3A_24 = arith.constant 0 : i32
      %dma_wait3A_25 = arith.constant 0 : i32
      %dma_wait3A_26 = tpu.memref_slice %arg3[%add3A, %dma_wait3A_24, %dma_wait3A_25] : memref<32x79x128xi32, #tpu.memory_space<hbm>> -> memref<1x79x128xi32, #tpu.memory_space<hbm>>
      %dma_wait3A_27 = tpu.memref_squeeze %dma_wait3A_26 : memref<1x79x128xi32, #tpu.memory_space<hbm>> -> memref<79x128xi32, #tpu.memory_space<hbm>>
      tpu.wait_dma2 semaphore(%run_scoped3A : memref<!tpu.dma_semaphore, #tpu.memory_space<semaphore_mem>>) src(%dma_wait3A_27 : memref<79x128xi32, #tpu.memory_space<hbm>>) dst(%arg7 : memref<79x128xi32, #tpu.memory_space<vmem>>)
      tpu.yield
    }) : () -> ()
    "tpu.region"() ({
      %run_scoped3A = tpu.sem_alloc : memref<!tpu.dma_semaphore, #tpu.memory_space<semaphore_mem>>
      %dma_start3A = arith.constant 0 : i32
      %dma_start3A_14 = arith.constant 0 : i32
      %dma_start3A_15 = tpu.memref_slice %arg4[%add3A, %dma_start3A, %dma_start3A_14] : memref<32x79x128xi32, #tpu.memory_space<hbm>> -> memref<1x79x128xi32, #tpu.memory_space<hbm>>
      %dma_start3A_16 = tpu.memref_squeeze %dma_start3A_15 : memref<1x79x128xi32, #tpu.memory_space<hbm>> -> memref<79x128xi32, #tpu.memory_space<hbm>>
      %dma_start3A_17 = arith.constant 0 : i32
      %dma_start3A_18 = arith.constant 0 : i32
      %dma_start3A_19 = tpu.memref_slice %arg4[%add3A, %dma_start3A_17, %dma_start3A_18] : memref<32x79x128xi32, #tpu.memory_space<hbm>> -> memref<1x79x128xi32, #tpu.memory_space<hbm>>
      %dma_start3A_20 = tpu.memref_squeeze %dma_start3A_19 : memref<1x79x128xi32, #tpu.memory_space<hbm>> -> memref<79x128xi32, #tpu.memory_space<hbm>>
      tpu.enqueue_dma source(%dma_start3A_20 : memref<79x128xi32, #tpu.memory_space<hbm>>) target(%arg8 : memref<79x128xi32, #tpu.memory_space<vmem>>) target_semaphore(%run_scoped3A : memref<!tpu.dma_semaphore, #tpu.memory_space<semaphore_mem>>)
      %dma_wait3A = arith.constant 0 : i32
      %dma_wait3A_21 = arith.constant 0 : i32
      %dma_wait3A_22 = tpu.memref_slice %arg4[%add3A, %dma_wait3A, %dma_wait3A_21] : memref<32x79x128xi32, #tpu.memory_space<hbm>> -> memref<1x79x128xi32, #tpu.memory_space<hbm>>
      %dma_wait3A_23 = tpu.memref_squeeze %dma_wait3A_22 : memref<1x79x128xi32, #tpu.memory_space<hbm>> -> memref<79x128xi32, #tpu.memory_space<hbm>>
      %dma_wait3A_24 = arith.constant 0 : i32
      %dma_wait3A_25 = arith.constant 0 : i32
      %dma_wait3A_26 = tpu.memref_slice %arg4[%add3A, %dma_wait3A_24, %dma_wait3A_25] : memref<32x79x128xi32, #tpu.memory_space<hbm>> -> memref<1x79x128xi32, #tpu.memory_space<hbm>>
      %dma_wait3A_27 = tpu.memref_squeeze %dma_wait3A_26 : memref<1x79x128xi32, #tpu.memory_space<hbm>> -> memref<79x128xi32, #tpu.memory_space<hbm>>
      tpu.wait_dma2 semaphore(%run_scoped3A : memref<!tpu.dma_semaphore, #tpu.memory_space<semaphore_mem>>) src(%dma_wait3A_27 : memref<79x128xi32, #tpu.memory_space<hbm>>) dst(%arg8 : memref<79x128xi32, #tpu.memory_space<vmem>>)
      tpu.yield
    }) : () -> ()
    %mul3A_1 = arith.constant 632 : i32
    %mul3A_2 = arith.muli %arg1, %mul3A_1 : i32
    %mul3A_3 = arith.constant 632 : i32
    %mul3A_4 = arith.muli %arg1, %mul3A_3 : i32
    "tpu.region"() ({
      %run_scoped3A = tpu.sem_alloc : memref<!tpu.dma_semaphore, #tpu.memory_space<semaphore_mem>>
      %dma_start3A = arith.constant 0 : i32
      %dma_start3A_14 = tpu.memref_slice %arg10[%mul3A_4, %dma_start3A] : memref<10112x128xf32, #tpu.memory_space<vmem_shared>> -> memref<632x128xf32, #tpu.memory_space<vmem_shared>>
      %dma_start3A_15 = arith.constant 0 : i32
      %dma_start3A_16 = tpu.memref_slice %arg5[%mul3A_2, %dma_start3A_15] : memref<10112x128xf32, #tpu.memory_space<hbm>> -> memref<632x128xf32, #tpu.memory_space<hbm>>
      tpu.enqueue_dma source(%dma_start3A_16 : memref<632x128xf32, #tpu.memory_space<hbm>>) target(%dma_start3A_14 : memref<632x128xf32, #tpu.memory_space<vmem_shared>>) target_semaphore(%run_scoped3A : memref<!tpu.dma_semaphore, #tpu.memory_space<semaphore_mem>>)
      %dma_wait3A = arith.constant 0 : i32
      %dma_wait3A_17 = tpu.memref_slice %arg10[%mul3A_4, %dma_wait3A] : memref<10112x128xf32, #tpu.memory_space<vmem_shared>> -> memref<632x128xf32, #tpu.memory_space<vmem_shared>>
      %dma_wait3A_18 = arith.constant 0 : i32
      %dma_wait3A_19 = tpu.memref_slice %arg5[%mul3A_2, %dma_wait3A_18] : memref<10112x128xf32, #tpu.memory_space<hbm>> -> memref<632x128xf32, #tpu.memory_space<hbm>>
      tpu.wait_dma2 semaphore(%run_scoped3A : memref<!tpu.dma_semaphore, #tpu.memory_space<semaphore_mem>>) src(%dma_wait3A_19 : memref<632x128xf32, #tpu.memory_space<hbm>>) dst(%dma_wait3A_17 : memref<632x128xf32, #tpu.memory_space<vmem_shared>>)
      tpu.yield
    }) : () -> ()
    %barrier3A = arith.constant 0 : index
    tpu.barrier barrier_id(%barrier3A)
    %scan3A = arith.constant 0 : i32
    %scan3A_5 = arith.constant 79 : i32
    %scan3A_6 = arith.addi %scan3A, %scan3A_5 : i32
    %scan3A_7 = arith.constant 1 : i32
    scf.for %scan3A_14 = %scan3A to %scan3A_6 step %scan3A_7  : i32 {
      %mul3A_15 = arith.constant 1 : i32
      %mul3A_16 = arith.muli %scan3A_14, %mul3A_15 : i32
      %add3A_17 = arith.constant 0 : i32
      %add3A_18 = arith.addi %add3A_17, %mul3A_16 : i32
      "tpu.region"() ({
        %run_scoped3A = tpu.sem_alloc : memref<!tpu.dma_semaphore, #tpu.memory_space<semaphore_mem>>
        %dma_start3A = arith.constant 0 : i32
        %dma_start3A_19 = tpu.memref_slice %arg7[%add3A_18, %dma_start3A] : memref<79x128xi32, #tpu.memory_space<vmem>> -> memref<1x128xi32, #tpu.memory_space<vmem>>
        %dma_start3A_20 = tpu.memref_squeeze %dma_start3A_19 : memref<1x128xi32, #tpu.memory_space<vmem>> -> memref<128xi32, #tpu.memory_space<vmem>>
        %dma_start3A_21 = arith.constant 0 : i32
        %dma_start3A_22 = arith.constant 0 : i32
        %dma_start3A_23 = tpu.memref_slice %arg2[%dma_start3A_21, %dma_start3A_22] : memref<10112x128xf32, #tpu.memory_space<hbm>> -> memref<10112x128xf32, #tpu.memory_space<hbm>>
        tpu.enqueue_indirect_dma source(%dma_start3A_23 : memref<10112x128xf32, #tpu.memory_space<hbm>>) target(%arg9 : memref<128x128xf32, #tpu.memory_space<vmem>>) offsets(%dma_start3A_20 : memref<128xi32, #tpu.memory_space<vmem>>) semaphore(%run_scoped3A : memref<!tpu.dma_semaphore, #tpu.memory_space<semaphore_mem>>)
        %dma_wait3A = arith.constant 0 : i32
        %dma_wait3A_24 = tpu.memref_slice %arg7[%add3A_18, %dma_wait3A] : memref<79x128xi32, #tpu.memory_space<vmem>> -> memref<1x128xi32, #tpu.memory_space<vmem>>
        %dma_wait3A_25 = tpu.memref_squeeze %dma_wait3A_24 : memref<1x128xi32, #tpu.memory_space<vmem>> -> memref<128xi32, #tpu.memory_space<vmem>>
        %dma_wait3A_26 = arith.constant 0 : i32
        %dma_wait3A_27 = arith.constant 0 : i32
        %dma_wait3A_28 = tpu.memref_slice %arg2[%dma_wait3A_26, %dma_wait3A_27] : memref<10112x128xf32, #tpu.memory_space<hbm>> -> memref<10112x128xf32, #tpu.memory_space<hbm>>
        tpu.wait_indirect_dma semaphore(%run_scoped3A : memref<!tpu.dma_semaphore, #tpu.memory_space<semaphore_mem>>) src(%dma_wait3A_28 : memref<10112x128xf32, #tpu.memory_space<hbm>>) dst(%arg9 : memref<128x128xf32, #tpu.memory_space<vmem>>)
        tpu.yield
      }) : () -> ()
      "tpu.region"() ({
        %run_scoped3A = tpu.sem_alloc : memref<!tpu.dma_semaphore, #tpu.memory_space<semaphore_mem>>
        %dma_start3A = arith.constant 0 : i32
        %dma_start3A_19 = tpu.memref_slice %arg8[%add3A_18, %dma_start3A] : memref<79x128xi32, #tpu.memory_space<vmem>> -> memref<1x128xi32, #tpu.memory_space<vmem>>
        %dma_start3A_20 = tpu.memref_squeeze %dma_start3A_19 : memref<1x128xi32, #tpu.memory_space<vmem>> -> memref<128xi32, #tpu.memory_space<vmem>>
        %dma_start3A_21 = arith.constant 0 : i32
        %dma_start3A_22 = arith.constant 0 : i32
        %dma_start3A_23 = tpu.memref_slice %arg10[%dma_start3A_21, %dma_start3A_22] : memref<10112x128xf32, #tpu.memory_space<vmem_shared>> -> memref<10112x128xf32, #tpu.memory_space<vmem_shared>>
        tpu.enqueue_indirect_dma source(%arg9 : memref<128x128xf32, #tpu.memory_space<vmem>>) target(%dma_start3A_23 : memref<10112x128xf32, #tpu.memory_space<vmem_shared>>) offsets(%dma_start3A_20 : memref<128xi32, #tpu.memory_space<vmem>>) semaphore(%run_scoped3A : memref<!tpu.dma_semaphore, #tpu.memory_space<semaphore_mem>>) {add = true}
        %dma_wait3A = arith.constant 0 : i32
        %dma_wait3A_24 = tpu.memref_slice %arg8[%add3A_18, %dma_wait3A] : memref<79x128xi32, #tpu.memory_space<vmem>> -> memref<1x128xi32, #tpu.memory_space<vmem>>
        %dma_wait3A_25 = tpu.memref_squeeze %dma_wait3A_24 : memref<1x128xi32, #tpu.memory_space<vmem>> -> memref<128xi32, #tpu.memory_space<vmem>>
        %dma_wait3A_26 = arith.constant 0 : i32
        %dma_wait3A_27 = arith.constant 0 : i32
        %dma_wait3A_28 = tpu.memref_slice %arg10[%dma_wait3A_26, %dma_wait3A_27] : memref<10112x128xf32, #tpu.memory_space<vmem_shared>> -> memref<10112x128xf32, #tpu.memory_space<vmem_shared>>
        tpu.wait_indirect_dma semaphore(%run_scoped3A : memref<!tpu.dma_semaphore, #tpu.memory_space<semaphore_mem>>) src(%arg9 : memref<128x128xf32, #tpu.memory_space<vmem>>) dst(%dma_wait3A_28 : memref<10112x128xf32, #tpu.memory_space<vmem_shared>>)
        tpu.yield
      }) : () -> ()
    }
    %scan3A_8 = arith.constant 79 : i32
    %barrier3A_9 = arith.constant 0 : index
    tpu.barrier barrier_id(%barrier3A_9)
    %mul3A_10 = arith.constant 632 : i32
    %mul3A_11 = arith.muli %arg1, %mul3A_10 : i32
    %mul3A_12 = arith.constant 632 : i32
    %mul3A_13 = arith.muli %arg1, %mul3A_12 : i32
    "tpu.region"() ({
      %run_scoped3A = tpu.sem_alloc : memref<!tpu.dma_semaphore, #tpu.memory_space<semaphore_mem>>
      %dma_start3A = arith.constant 0 : i32
      %dma_start3A_14 = arith.constant 0 : i32
      %dma_start3A_15 = tpu.memref_slice %arg6[%arg0, %dma_start3A, %dma_start3A_14] : memref<2x10112x128xf32, #tpu.memory_space<hbm>> -> memref<1x10112x128xf32, #tpu.memory_space<hbm>>
      %dma_start3A_16 = tpu.memref_squeeze %dma_start3A_15 : memref<1x10112x128xf32, #tpu.memory_space<hbm>> -> memref<10112x128xf32, #tpu.memory_space<hbm>>
      %dma_start3A_17 = arith.constant 0 : i32
      %dma_start3A_18 = tpu.memref_slice %dma_start3A_16[%mul3A_13, %dma_start3A_17] : memref<10112x128xf32, #tpu.memory_space<hbm>> -> memref<632x128xf32, #tpu.memory_space<hbm>>
      %dma_start3A_19 = arith.constant 0 : i32
      %dma_start3A_20 = tpu.memref_slice %arg10[%mul3A_11, %dma_start3A_19] : memref<10112x128xf32, #tpu.memory_space<vmem_shared>> -> memref<632x128xf32, #tpu.memory_space<vmem_shared>>
      tpu.enqueue_dma source(%dma_start3A_20 : memref<632x128xf32, #tpu.memory_space<vmem_shared>>) target(%dma_start3A_18 : memref<632x128xf32, #tpu.memory_space<hbm>>) target_semaphore(%run_scoped3A : memref<!tpu.dma_semaphore, #tpu.memory_space<semaphore_mem>>)
      %dma_wait3A = arith.constant 0 : i32
      %dma_wait3A_21 = arith.constant 0 : i32
      %dma_wait3A_22 = tpu.memref_slice %arg6[%arg0, %dma_wait3A, %dma_wait3A_21] : memref<2x10112x128xf32, #tpu.memory_space<hbm>> -> memref<1x10112x128xf32, #tpu.memory_space<hbm>>
      %dma_wait3A_23 = tpu.memref_squeeze %dma_wait3A_22 : memref<1x10112x128xf32, #tpu.memory_space<hbm>> -> memref<10112x128xf32, #tpu.memory_space<hbm>>
      %dma_wait3A_24 = arith.constant 0 : i32
      %dma_wait3A_25 = tpu.memref_slice %dma_wait3A_23[%mul3A_13, %dma_wait3A_24] : memref<10112x128xf32, #tpu.memory_space<hbm>> -> memref<632x128xf32, #tpu.memory_space<hbm>>
      %dma_wait3A_26 = arith.constant 0 : i32
      %dma_wait3A_27 = tpu.memref_slice %arg10[%mul3A_11, %dma_wait3A_26] : memref<10112x128xf32, #tpu.memory_space<vmem_shared>> -> memref<632x128xf32, #tpu.memory_space<vmem_shared>>
      tpu.wait_dma2 semaphore(%run_scoped3A : memref<!tpu.dma_semaphore, #tpu.memory_space<semaphore_mem>>) src(%dma_wait3A_27 : memref<632x128xf32, #tpu.memory_space<vmem_shared>>) dst(%dma_wait3A_25 : memref<632x128xf32, #tpu.memory_space<hbm>>)
      tpu.yield
    }) : () -> ()
    return
  }
}

module attributes {stable_mosaic.version = 14 : i64} {
  func.func @_prescale_body(%arg0: memref<32x10112xf32, #tpu.memory_space<vmem>>, %arg1: memref<10112x128xf32, #tpu.memory_space<vmem>>, %arg2: memref<10112x128xf32, #tpu.memory_space<vmem>>, %arg3: memref<10112x1xf32, #tpu.memory_space<vmem>>) attributes {dimension_semantics = [], scalar_prefetch = 0 : i64, scratch_operands = 0 : i64, tpu.core_type = #tpu.core_type<tc>} {
    %get3A = arith.constant 0 : index
    %get3A_0 = arith.constant 0 : index
    %get3A_1 = vector.load %arg0[%get3A, %get3A_0] : memref<32x10112xf32, #tpu.memory_space<vmem>>, vector<32x10112xf32>
    %reduce_sum3A = arith.constant dense<0.000000e+00> : vector<10112xf32>
    %reduce_sum3A_2 = vector.multi_reduction <add>, %get3A_1, %reduce_sum3A [0] : vector<32x10112xf32> to vector<10112xf32>
    %max3A = arith.constant 1.000000e+00 : f32
    %max3A_3 = vector.broadcast %max3A : f32 to vector<10112xf32>
    %max3A_4 = arith.maximumf %reduce_sum3A_2, %max3A_3 : vector<10112xf32>
    %rsqrt3A = math.rsqrt %max3A_4 : vector<10112xf32>
    %broadcast_in_dim3A = vector.shape_cast %rsqrt3A : vector<10112xf32> to vector<10112x1xf32>
    %get3A_5 = arith.constant 0 : index
    %get3A_6 = arith.constant 0 : index
    %get3A_7 = vector.load %arg1[%get3A_5, %get3A_6] : memref<10112x128xf32, #tpu.memory_space<vmem>>, vector<10112x128xf32>
    %mul3A = vector.broadcast %broadcast_in_dim3A : vector<10112x1xf32> to vector<10112x128xf32>
    %mul3A_8 = arith.mulf %get3A_7, %mul3A : vector<10112x128xf32>
    %swap3A = arith.constant 0 : index
    %swap3A_9 = arith.constant 0 : index
    %swap3A_10 = vector.load %arg2[%swap3A, %swap3A_9] : memref<10112x128xf32, #tpu.memory_space<vmem>>, vector<10112x128xf32>
    tpu.vector_store %arg2[%swap3A, %swap3A_9], %mul3A_8 {strides = array<i32>} : memref<10112x128xf32, #tpu.memory_space<vmem>>, vector<10112x128xf32>,
    %swap3A_11 = arith.constant 0 : index
    %swap3A_12 = arith.constant 0 : index
    %swap3A_13 = vector.load %arg3[%swap3A_11, %swap3A_12] : memref<10112x1xf32, #tpu.memory_space<vmem>>, vector<10112x1xf32>
    tpu.vector_store %arg3[%swap3A_11, %swap3A_12], %broadcast_in_dim3A {strides = array<i32>} : memref<10112x1xf32, #tpu.memory_space<vmem>>, vector<10112x1xf32>,
    return
  }
}

module attributes {stable_mosaic.version = 14 : i64} {
  func.func @_mid_body(%arg0: memref<2x10112x128xf32, #tpu.memory_space<vmem>>, %arg1: memref<10112x1xf32, #tpu.memory_space<vmem>>, %arg2: memref<128x128xf32, #tpu.memory_space<vmem>>, %arg3: memref<1x128xf32, #tpu.memory_space<vmem>>, %arg4: memref<10112x128xf32, #tpu.memory_space<vmem>>) attributes {dimension_semantics = [], scalar_prefetch = 0 : i64, scratch_operands = 0 : i64, tpu.core_type = #tpu.core_type<tc>} {
    %get3A = arith.constant 0 : index
    %get3A_0 = arith.constant 0 : index
    %get3A_1 = arith.constant 0 : index
    %get3A_2 = vector.load %arg0[%get3A, %get3A_0, %get3A_1] : memref<2x10112x128xf32, #tpu.memory_space<vmem>>, vector<1x10112x128xf32>
    %get3A_3 = vector.shape_cast %get3A_2 : vector<1x10112x128xf32> to vector<10112x128xf32>
    %get3A_4 = arith.constant 1 : index
    %get3A_5 = arith.constant 0 : index
    %get3A_6 = arith.constant 0 : index
    %get3A_7 = vector.load %arg0[%get3A_4, %get3A_5, %get3A_6] : memref<2x10112x128xf32, #tpu.memory_space<vmem>>, vector<1x10112x128xf32>
    %get3A_8 = vector.shape_cast %get3A_7 : vector<1x10112x128xf32> to vector<10112x128xf32>
    %add3A = arith.addf %get3A_3, %get3A_8 : vector<10112x128xf32>
    %get3A_9 = arith.constant 0 : index
    %get3A_10 = arith.constant 0 : index
    %get3A_11 = vector.load %arg1[%get3A_9, %get3A_10] : memref<10112x1xf32, #tpu.memory_space<vmem>>, vector<10112x1xf32>
    %mul3A = vector.broadcast %get3A_11 : vector<10112x1xf32> to vector<10112x128xf32>
    %mul3A_12 = arith.mulf %add3A, %mul3A : vector<10112x128xf32>
    %convert_element_type3A = arith.truncf %mul3A_12 : vector<10112x128xf32> to vector<10112x128xbf16>
    %get3A_13 = arith.constant 0 : index
    %get3A_14 = arith.constant 0 : index
    %get3A_15 = vector.load %arg2[%get3A_13, %get3A_14] : memref<128x128xf32, #tpu.memory_space<vmem>>, vector<128x128xf32>
    %convert_element_type3A_16 = arith.truncf %get3A_15 : vector<128x128xf32> to vector<128x128xbf16>
    %dot_general3A = arith.constant dense<0.000000e+00> : vector<10112x128xf32>
    %dot_general3A_17 = tpu.matmul %convert_element_type3A, %convert_element_type3A_16, %dot_general3A {dimension_numbers = #tpu.dot_dimension_numbers<[1], [0], [0], [1], [0, 0, 1, 1], [], []>, transpose_lhs_hint = false} : vector<10112x128xbf16>, vector<128x128xbf16>, vector<10112x128xf32> -> vector<10112x128xf32>
    %get3A_18 = arith.constant 0 : index
    %get3A_19 = arith.constant 0 : index
    %get3A_20 = vector.load %arg3[%get3A_18, %get3A_19] : memref<1x128xf32, #tpu.memory_space<vmem>>, vector<1x128xf32>
    %add3A_21 = vector.broadcast %get3A_20 : vector<1x128xf32> to vector<10112x128xf32>
    %add3A_22 = arith.addf %dot_general3A_17, %add3A_21 : vector<10112x128xf32>
    %max3A = arith.constant 0.000000e+00 : f32
    %max3A_23 = vector.broadcast %max3A : f32 to vector<10112x128xf32>
    %max3A_24 = arith.maximumf %add3A_22, %max3A_23 : vector<10112x128xf32>
    %get3A_25 = arith.constant 0 : index
    %get3A_26 = arith.constant 0 : index
    %get3A_27 = vector.load %arg1[%get3A_25, %get3A_26] : memref<10112x1xf32, #tpu.memory_space<vmem>>, vector<10112x1xf32>
    %mul3A_28 = vector.broadcast %get3A_27 : vector<10112x1xf32> to vector<10112x128xf32>
    %mul3A_29 = arith.mulf %max3A_24, %mul3A_28 : vector<10112x128xf32>
    %swap3A = arith.constant 0 : index
    %swap3A_30 = arith.constant 0 : index
    %swap3A_31 = vector.load %arg4[%swap3A, %swap3A_30] : memref<10112x128xf32, #tpu.memory_space<vmem>>, vector<10112x128xf32>
    tpu.vector_store %arg4[%swap3A, %swap3A_30], %mul3A_29 {strides = array<i32>} : memref<10112x128xf32, #tpu.memory_space<vmem>>, vector<10112x128xf32>,
    return
  }
}

module attributes {stable_mosaic.version = 14 : i64} {
  func.func @_final_body(%arg0: i32, %arg1: memref<2x2000x128xf32, #tpu.memory_space<vmem>>, %arg2: memref<2000x1xf32, #tpu.memory_space<vmem>>, %arg3: memref<128x128xf32, #tpu.memory_space<vmem>>, %arg4: memref<1x128xf32, #tpu.memory_space<vmem>>, %arg5: memref<4x2000x128xf32, #tpu.memory_space<vmem>>, %arg6: memref<4x2000x128xf32, #tpu.memory_space<vmem>>) attributes {dimension_semantics = [#tpu.dimension_semantics<arbitrary>], iteration_bounds = array<i64: 5>, scalar_prefetch = 0 : i64, scratch_operands = 0 : i64, tpu.core_type = #tpu.core_type<tc>, window_params = [{transform_indices = @transform_0, window_bounds = array<i64: 2, 2000, 128>}, {transform_indices = @transform_1, window_bounds = array<i64: 2000, 1>}, {pipeline_mode = #tpu.pipeline_mode<synchronous>, transform_indices = @transform_2, window_bounds = array<i64: 128, 128>}, {pipeline_mode = #tpu.pipeline_mode<synchronous>, transform_indices = @transform_3, window_bounds = array<i64: 1, 128>}, {transform_indices = @transform_4, window_bounds = array<i64: 4, 2000, 128>}, {transform_indices = @transform_5, window_bounds = array<i64: 4, 2000, 128>}]} {
    %get3A = arith.constant 0 : index
    %get3A_0 = arith.constant 0 : index
    %get3A_1 = arith.constant 0 : index
    %get3A_2 = vector.load %arg1[%get3A, %get3A_0, %get3A_1] : memref<2x2000x128xf32, #tpu.memory_space<vmem>>, vector<1x2000x128xf32>
    %get3A_3 = vector.shape_cast %get3A_2 : vector<1x2000x128xf32> to vector<2000x128xf32>
    %get3A_4 = arith.constant 1 : index
    %get3A_5 = arith.constant 0 : index
    %get3A_6 = arith.constant 0 : index
    %get3A_7 = vector.load %arg1[%get3A_4, %get3A_5, %get3A_6] : memref<2x2000x128xf32, #tpu.memory_space<vmem>>, vector<1x2000x128xf32>
    %get3A_8 = vector.shape_cast %get3A_7 : vector<1x2000x128xf32> to vector<2000x128xf32>
    %add3A = arith.addf %get3A_3, %get3A_8 : vector<2000x128xf32>
    %get3A_9 = arith.constant 0 : index
    %get3A_10 = arith.constant 0 : index
    %get3A_11 = vector.load %arg2[%get3A_9, %get3A_10] : memref<2000x1xf32, #tpu.memory_space<vmem>>, vector<2000x1xf32>
    %mul3A = vector.broadcast %get3A_11 : vector<2000x1xf32> to vector<2000x128xf32>
    %mul3A_12 = arith.mulf %add3A, %mul3A : vector<2000x128xf32>
    %convert_element_type3A = arith.truncf %mul3A_12 : vector<2000x128xf32> to vector<2000x128xbf16>
    %get3A_13 = arith.constant 0 : index
    %get3A_14 = arith.constant 0 : index
    %get3A_15 = vector.load %arg3[%get3A_13, %get3A_14] : memref<128x128xf32, #tpu.memory_space<vmem>>, vector<128x128xf32>
    %convert_element_type3A_16 = arith.truncf %get3A_15 : vector<128x128xf32> to vector<128x128xbf16>
    %dot_general3A = arith.constant dense<0.000000e+00> : vector<2000x128xf32>
    %dot_general3A_17 = tpu.matmul %convert_element_type3A, %convert_element_type3A_16, %dot_general3A {dimension_numbers = #tpu.dot_dimension_numbers<[1], [0], [0], [1], [0, 0, 1, 1], [], []>, transpose_lhs_hint = false} : vector<2000x128xbf16>, vector<128x128xbf16>, vector<2000x128xf32> -> vector<2000x128xf32>
    %get3A_18 = arith.constant 0 : index
    %get3A_19 = arith.constant 0 : index
    %get3A_20 = vector.load %arg4[%get3A_18, %get3A_19] : memref<1x128xf32, #tpu.memory_space<vmem>>, vector<1x128xf32>
    %add3A_21 = vector.broadcast %get3A_20 : vector<1x128xf32> to vector<2000x128xf32>
    %add3A_22 = arith.addf %dot_general3A_17, %add3A_21 : vector<2000x128xf32>
    %get3A_23 = arith.constant 0 : index
    %get3A_24 = arith.constant 0 : index
    %get3A_25 = arith.constant 0 : index
    %get3A_26 = vector.load %arg5[%get3A_23, %get3A_24, %get3A_25] : memref<4x2000x128xf32, #tpu.memory_space<vmem>>, vector<4x2000x128xf32>
    %broadcast_in_dim3A = vector.shape_cast %add3A_22 : vector<2000x128xf32> to vector<1x2000x128xf32>
    %le3A = vector.broadcast %broadcast_in_dim3A : vector<1x2000x128xf32> to vector<4x2000x128xf32>
    %le3A_27 = arith.cmpf ole, %get3A_26, %le3A : vector<4x2000x128xf32>
    %convert_element_type3A_28 = arith.extui %le3A_27 : vector<4x2000x128xi1> to vector<4x2000x128xi32>
    %convert_element_type3A_29 = arith.sitofp %convert_element_type3A_28 : vector<4x2000x128xi32> to vector<4x2000x128xf32>
    %swap3A = arith.constant 0 : index
    %swap3A_30 = arith.constant 0 : index
    %swap3A_31 = arith.constant 0 : index
    %swap3A_32 = vector.load %arg6[%swap3A, %swap3A_30, %swap3A_31] : memref<4x2000x128xf32, #tpu.memory_space<vmem>>, vector<4x2000x128xf32>
    tpu.vector_store %arg6[%swap3A, %swap3A_30, %swap3A_31], %convert_element_type3A_29 {strides = array<i32>} : memref<4x2000x128xf32, #tpu.memory_space<vmem>>, vector<4x2000x128xf32>,
    return
  }
  func.func @transform_0(%arg0: i32) -> (i32, i32, i32) {
    %c0_i32 = arith.constant 0 : i32
    %c0_i32_0 = arith.constant 0 : i32
    %c0_i32_1 = arith.constant 0 : i32
    return %c0_i32, %arg0, %c0_i32_0 : i32, i32, i32
  }
  func.func @transform_1(%arg0: i32) -> (i32, i32) {
    %c0_i32 = arith.constant 0 : i32
    %c0_i32_0 = arith.constant 0 : i32
    return %arg0, %c0_i32 : i32, i32
  }
  func.func @transform_2(%arg0: i32) -> (i32, i32) {
    %c0_i32 = arith.constant 0 : i32
    %c0_i32_0 = arith.constant 0 : i32
    %c0_i32_1 = arith.constant 0 : i32
    return %c0_i32, %c0_i32_0 : i32, i32
  }
  func.func @transform_3(%arg0: i32) -> (i32, i32) {
    %c0_i32 = arith.constant 0 : i32
    %c0_i32_0 = arith.constant 0 : i32
    %c0_i32_1 = arith.constant 0 : i32
    return %c0_i32, %c0_i32_0 : i32, i32
  }
  func.func @transform_4(%arg0: i32) -> (i32, i32, i32) {
    %c0_i32 = arith.constant 0 : i32
    %c0_i32_0 = arith.constant 0 : i32
    %c0_i32_1 = arith.constant 0 : i32
    return %c0_i32, %arg0, %c0_i32_0 : i32, i32, i32
  }
  func.func @transform_5(%arg0: i32) -> (i32, i32, i32) {
    %c0_i32 = arith.constant 0 : i32
    %c0_i32_0 = arith.constant 0 : i32
    %c0_i32_1 = arith.constant 0 : i32
    return %c0_i32, %arg0, %c0_i32_0 : i32, i32, i32
  }
}

</mosaic_0001>

<sc_bundles>
// kernel: kernel.11.cloned.1.call-start
scs
__scs_entry_jumppad:
0x0: {  	(pc) =	sbr.rel $0x88, $3  }
0x1: {  	(tag) =	ssettag $0x0;
	lr =	simm.s32 $0x1  }
0x2: {  	[smem:$0x3F9B] =	sst lr;
	_ =	strace $0xD0000000  }
0x3: {  	_ = 	snop  }
0x4: {  	_ = 	snop  }
0x5: {  	_ = 	snop  }
0x6: {  	_ = 	snop  }
0x7: {  	_ = 	snop  }
__scs_overlays_trampoline_lowered:
0x8: {  	[smem:$0x3FAA] =	sst s0  }
0x9: {  	[smem:$0x3FAB] =	sst s1  }
0xa: {  	[smem:$0x3FAC] =	sst s2  }
0xb: {  	[smem:$0x3FAD] =	sst s3  }
0xc: {  	[smem:$0x3FAE] =	sst s4  }
0xd: {  	[smem:$0x3FAF] =	sst s5  }
0xe: {  	[smem:$0x3FB0] =	sst s6  }
0xf: {  	[smem:$0x3FB1] =	sst s7  }
0x10: {  	[smem:$0x3FB2] =	sst s8  }
0x11: {  	[smem:$0x3FB3] =	sst s9;
	s0 =	simm.s32 @!p0 $0x0  }
0x12: {  	s1 =	sld [smem:$0x3F99];
	s0 =	simm.s32 @p0 $0x1  }
0x13: {  	[smem:$0x3FB4] =	sst s0;
	s0 =	simm.s32 @!p1 $0x0  }
0x14: {  	s2 =	sld [smem:$0x3F98];
	s0 =	simm.s32 @p1 $0x1  }
0x15: {  	[smem:$0x3FB5] =	sst s0;
	s0 =	simm.s32 @!p2 $0x0  }
0x16: {  	s3 =	sld [smem:$0x3FDB];
	s0 =	simm.s32 @p2 $0x1  }
0x17: {  	s4 =	simm.s32 $0x1BF5;
	[smem:$0x3FB7] =	sst s0  }
0x18: {  	s0 =	sld [smem:$0x3F9A];
	_ =	swait.ge [sflag:s4], $0x0  }
0x19: {  	s7 =	sld [smem:$0x3F9B]  }
0x1a: {  	s8 =	sadd.s32 $0xFFFFE003, lr  }
0x1b: {  	s9 =	sadd.s32 $0xFFFFFEF7, lr;
	s5 =	simm.s32 $0xFFFFFFFF;
	p2 =	slt.u32 s8, $0xFFFFF086  }
0x1c: {  	p1 =	slt.u32 s9, $0xF7A;
	s5 =	simm.s32 @!p2 $0x0  }
0x1d: {  	s5 =	simm.s32 @p1 $0x1;
	p0 =	seq.s32 s7, s2  }
0x1e: {  	s7 =	smul.u32 @!p0 $0xF7A, s2;
	p2 =	seq.s32 @!p0 s5, $0x0  }
0x1f: {  	s9 =	smul.u32 $0xF7A, s1;
	s8 =	simm.s32 @!p0 $0x1BF5;
	p2 =	por !p2, p0  }
0x20: {  	[sflag:s8] =	ssyncset.s32 @!p0 $0xFFFFF086;
	s6 =	sadd.s32 @!p0 s3, s7;
	s7 =	simm.s32 @!p0 $0x108  }
0x21: {  	s3 =	sadd.s32 s3, s9;
	s6 =	sadd.s32 @!p0 $0x88, s6;
	s7 =	simm.s32 @p2 $0x1082  }
0x22: {  	[simem:s7], [sflag:s8] =	dma.local @!p0 [hbm:s6], $0xF7A  }
0x23: {  	s9 =	sor.u32 $0xD0000000, s2;
	s6 =	simm.s32 $0x108;
	_ =	swait.ge @!p0 [sflag:s8], $0x0  }
0x24: {  	s3 =	sadd.s32 $0x88, s3;
	s6 =	simm.s32 @!p1 $0x1082;
	[sflag:s4] =	ssyncset.s32 $0xFFFFF086  }
0x25: {  	[simem:s6], [sflag:s4] =	dma.local [hbm:s3], $0xF7A  }
0x26: {  	[smem:$0x3F9B] =	sst s1;
	(tag) =	ssettag s2;
	_ =	strace s9  }
0x27: {  	s1 =	sld [smem:$0x3FAB]  }
0x28: {  	s2 =	sld [smem:$0x3FAC]  }
0x29: {  	s4 =	sld [smem:$0x3FAE]  }
0x2a: {  	p0 =	seq.s32 s5, $0x0;
	s5 =	sld [smem:$0x3FAF]  }
0x2b: {  	s6 =	sld [smem:$0x3FB0]  }
0x2c: {  	s7 =	sld [smem:$0x3FB1]  }
0x2d: {  	s3 =	simm.s32 $0x108;
	s8 =	sld [smem:$0x3FB2]  }
0x2e: {  	s3 =	simm.s32 @!p0 $0x1082;
	s9 =	sld [smem:$0x3FB3]  }
0x2f: {  	lr =	sadd.s32 s0, s3;
	s0 =	sld [smem:$0x3FAA]  }
0x30: {  	s3 =	sld [smem:$0x3FAD]  }
0x31: {  	[smem:$0x3FB6] =	sst s10  }
0x32: {  	s10 =	sld [smem:$0x3FB4];
	_ =	sdelay $0x3  }
0x33: {  	p0 =	seq.s32 s10, $0x1;
	s10 =	sld [smem:$0x3FB6];
	_ =	sdelay $0x3  }
0x34: {  	[smem:$0x3FB6] =	sst s10  }
0x35: {  	s10 =	sld [smem:$0x3FB5];
	_ =	sdelay $0x3  }
0x36: {  	p1 =	seq.s32 s10, $0x1;
	s10 =	sld [smem:$0x3FB6];
	_ =	sdelay $0x3  }
0x37: {  	[smem:$0x3FB6] =	sst s10  }
0x38: {  	s10 =	sld [smem:$0x3FB7]  }
0x39: {  	_ = 	snop;
	(pc) =	sbr.ind lr, $3  }
0x3a: {  	_ = 	snop  }
0x3b: {  	_ = 	snop  }
0x3c: {  	p2 =	seq.s32 s10, $0x1;
	s10 =	sld [smem:$0x3FB6]  }
0x3d: {  	_ =	shalt  }
0x3e: {  	_ =	shalt  }
0x3f: {  	_ =	shalt  }
0x40: {  	_ =	shalt  }
0x41: {  	_ =	shalt  }
0x42: {  	_ =	shalt  }
0x43: {  	_ =	shalt  }
0x44: {  	_ =	shalt  }
0x45: {  	_ =	shalt  }
0x46: {  	_ =	shalt  }
0x47: {  	_ =	shalt  }
0x48: {  	_ =	shalt  }
0x49: {  	_ =	shalt  }
0x4a: {  	_ =	shalt  }
0x4b: {  	_ =	shalt  }
0x4c: {  	_ =	shalt  }
0x4d: {  	_ =	shalt  }
0x4e: {  	_ =	shalt  }
0x4f: {  	_ =	shalt  }
0x50: {  	_ =	shalt  }
0x51: {  	_ =	shalt  }
0x52: {  	_ =	shalt  }
0x53: {  	_ =	shalt  }
0x54: {  	_ =	shalt  }
0x55: {  	_ =	shalt  }
0x56: {  	_ =	shalt  }
0x57: {  	_ =	shalt  }
0x58: {  	_ =	shalt  }
0x59: {  	_ =	shalt  }
0x5a: {  	_ =	shalt  }
0x5b: {  	_ =	shalt  }
0x5c: {  	_ =	shalt  }
0x5d: {  	_ =	shalt  }
0x5e: {  	_ =	shalt  }
0x5f: {  	_ =	shalt  }
0x60: {  	_ =	shalt  }
0x61: {  	_ =	shalt  }
0x62: {  	_ =	shalt  }
0x63: {  	_ =	shalt  }
0x64: {  	_ =	shalt  }
0x65: {  	_ =	shalt  }
0x66: {  	_ =	shalt  }
0x67: {  	_ =	shalt  }
0x68: {  	_ =	shalt  }
0x69: {  	_ =	shalt  }
0x6a: {  	_ =	shalt  }
0x6b: {  	_ =	shalt  }
0x6c: {  	_ =	shalt  }
0x6d: {  	_ =	shalt  }
0x6e: {  	_ =	shalt  }
0x6f: {  	_ =	shalt  }
0x70: {  	_ =	shalt  }
0x71: {  	_ =	shalt  }
0x72: {  	_ =	shalt  }
0x73: {  	_ =	shalt  }
0x74: {  	_ =	shalt  }
0x75: {  	_ =	shalt  }
0x76: {  	_ =	shalt  }
0x77: {  	_ =	shalt  }
0x78: {  	_ =	shalt  }
0x79: {  	_ =	shalt  }
0x7a: {  	_ =	shalt  }
0x7b: {  	_ =	shalt  }
0x7c: {  	_ =	shalt  }
0x7d: {  	_ =	shalt  }
0x7e: {  	_ =	shalt  }
0x7f: {  	_ =	shalt  }
0x80: {  	_ =	shalt  }
0x81: {  	_ =	shalt  }
0x82: {  	_ =	shalt  }
0x83: {  	_ =	shalt  }
0x84: {  	_ =	shalt  }
0x85: {  	_ =	shalt  }
0x86: {  	_ =	shalt  }
0x87: {  	_ =	shalt  }
.Lfunc_end0:
.L_simem_size_0:
called_computation.1_lowered:
.L_overlay_start_0:
0x88: {  	s2 =	sld [smem:$0x3FD9]  }
0x89: {  	s3 =	sld [smem:$0x3FFE];
	_ =	sdelay $0x1  }
0x8a: {  	s1 =	srdreg.scid  }
0x8b: {  	s0 =	sand.u32 $0x1, s1  }
0x8c: {  	s17 =	sshll.u32 s0, $0xA;
	s2 =	sadd.s32 s3, s2  }
0x8d: {  	s2 =	sadd.s32 s2, s17  }
0x8e: {  	[smem:$0x3FC2] =	sst s2  }
0x8f: {  	_ = 	snop  }
0x90: {  	s2 =	sld [smem:$0x3FD0];
	(tm) =	ssettm $0x1  }
0x91: {  	s18 =	sld [smem:$0x3FFB];
	_ =	sdelay $0x3  }
0x92: {  	_ =	strace s18  }
0x93: {  	s3 =	sld [smem:$0x3FFC];
	_ =	sdelay $0x3  }
0x94: {  	_ =	strace s3  }
0x95: {  	s3 =	sld [smem:$0x3FFD];
	_ =	sdelay $0x3  }
0x96: {  	_ =	strace s3  }
0x97: {  	_ =	strace $0x8FFFFFFF  }
0x98: {  	s19 =	sld [smem:$0x3FDB];
	_ =	sdelay $0x1  }
0x99: {  	s4 =	simm.s32 $_scs_section_size  }
0x9a: {  	s5 =	simm.s32 $_size__tile_overlayer_lowered;
	s6 =	simm.s32 $_tile_overlayer_lowered  }
0x9b: {  	s22 =	simm.s32 $0x1BFF;
	s21 =	sshll.u32 s6, $0x1;
	s3 =	sadd.s32 s4, s19  }
0x9c: {  	s7 =	simm.s32 $0x0;
	s20 =	sshll.u32 s5, $0x1;
	s5 =	sadd.s32 s21, s3  }
0x9d: {  	[timem:s7], [sflag:s22] =	dma.local [hbm:s5], s20  }
0x9e: {  	_ =	swait.ge [sflag:s22], s20  }
0x9f: {  	s4 =	ssub.s32 $0x0, s20;
	[sflag:s22] =	ssyncset.done $0x0  }
0xa0: {  	[sflag:s22] =	ssyncadd.s32 s4;
	_ =	sdelay $0x1  }
0xa1: {  	s23 =	simm.s32 $0x1B8B  }
0xa2: {  	_ =	swait.ge [sflag:s23], $0x1  }
0xa3: {  	[sflag:s23] =	ssyncset.done $0x0  }
0xa4: {  	s25 =	simm.s32 $0x1B8E;
	s24 =	sld [smem:$0x3FFE];
	[sflag:s23] =	ssyncadd.s32 $0xFFFFFFFF  }
0xa5: {  	s26 =	simm.s32 $execute0_lowered;
	[smem:$0x3FD2] =	sst s25  }
0xa6: {  	s5 =	sshll.u32 s26, $0x1;
	_ =	strace $0x80000049;
	[dreg:$0x1] =	wrdreg $0xFFFFFFFF  }
0xa7: {  	s28 =	simm.s32 $_size_execute0_lowered;
	s3 =	sadd.s32 s3, s5;
	[dreg:$0x0] =	wrdreg $0x0  }
0xa8: {  	s5 =	sshll.u32 s28, $0x1;
	[dreg:$0x2] =	wrdreg s3  }
0xa9: {  	[dreg:$0x3] =	wrdreg s5  }
0xaa: {  	[dreg:$0x4] =	wrdreg $0xC0  }
0xab: {  	_ =	task [dreg:s7], $0x5FFFF  }
0xac: {  	[dreg:$0x1] =	wrdreg $0xFFFFFFFF  }
0xad: {  	[dreg:$0x0] =	wrdreg $0x60  }
0xae: {  	[dreg:$0x2] =	wrdreg s24  }
0xaf: {  	[dreg:$0x3] =	wrdreg s2  }
0xb0: {  	[dreg:$0x4] =	wrdreg $0x90000  }
0xb1: {  	[dreg:$0x5] =	wrdreg $0x9  }
0xb2: {  	_ =	task.clear_ibuf [dreg:s7], $0x6FFFF;
	_ =	strace $0x90000049  }
0xb3: {  	s29 =	simm.s32 $0x9;
	_ =	strace $0x8000004B  }
0xb4: {  	_ =	swait.ge [sflag:s29], $0x1  }
0xb5: {  	[sflag:s29] =	ssyncadd.s32 $0xFFFFFFFF  }
0xb6: {  	_ =	strace $0x9000004B  }
0xb7: {  	_ =	sfence  }
0xb8: {  	s30 =	sld [smem:$0x0];
	_ =	sdelay $0x2  }
0xb9: {  	s31 =	sshll.u32 s1, $0xD;
	s1 =	sshrl.u32 s1, $0x2  }
0xba: {  	s3 =	sand.u32 $0x4000, s31;
	s1 =	sadd.s32 s1, s30  }
0xbb: {  	s0 =	sor.u32 s3, s0;
	s1 =	sshll.u32 s1, $0x11  }
0xbc: {  	s0 =	sor.u32 s1, s0  }
0xbd: {  	s0 =	sadd.s32 $0x8F2B, s0  }
0xbe: {  	[sflag:s0] =	ssyncadd.remote.s32 $0x1  }
0xbf: {  	_ =	sfence.sel $0xFFFF  }
0xc0: {  	[dreg:$0x0] =	wrdreg $0xFFFFFFFF;
	(pc) =	sbr.abs _section_cstart, $3  }
0xc1: {  	[dreg:$0x1] =	wrdreg $0xFFFFFFFF  }
0xc2: {  	_ =	task.clear_ibuf [dreg:s7], $0x2FFFF;
	_ =	strace $0x9FFFFFFF  }
0xc3: {  	(tm) =	ssettm $0x7FFFFFFF  }
tec
execute0_lowered:
.L_overlay_start_1:
0x0: {  	(tag) =	ssettag $0x1  }
0x1: {  	s5 =	rddreg [dreg:$0x0]  }
0x2: {  	s0 =	srdreg.scid;
	s8 =	rddreg [dreg:$0x1]  }
0x3: {  	s2 =	rddreg [dreg:$0x2];
	s1 =	stileid.u32  }
0x4: {  	s3 =	simm.s32 $0x0;
	s6 =	sand.u32 $0x1, s0;
	s0 =	rddreg [dreg:$0x3]  }
0x5: {  	s14 =	simm.s32 $0x5000;
	[smem:$0x7FF] =	sst s3;
	s15 =	smul.u32 $0x2780, s1  }
0x6: {  	s10 =	smul.u32 $0x4F000, s1;
	s31 =	sshll.u32 s1, $0x6;
	s4 =	sshll.u32 s6, $0x4  }
0x7: {  	_ =	strace $0x8000004A;
	s9 =	ssub.s32 $0x2, s6;
	s12 =	smul.u32 $0x27800, s6  }
0x8: {  	s4 =	sor.u32 s1, s4;
	s11 =	sadd.s32 s15, s5;
	s30 =	sshrl.u32 s9, $0x1  }
0x9: {  	s10 =	sshrl.u32 s10, $0x2;
	s7 =	smul.u32 $0x500, s4;
	s4 =	sadd.s32 $0x21000, s5  }
0xa: {  	s9 =	ssub.s32 s9, s30;
	s13 =	sadd.s32 s10, s2;
	s16 =	sadd.s32 s8, s12  }
0xb: {  	s10 =	simm.s32 $0x2800;
	s8 =	smax.u32 s9, $0x1;
	s9 =	simm.s32 $0x1  }
0xc: {  	s12 =	sshrl.u32 s13, $0x3;
	s13 =	simm.s32 $0x80;
	s7 =	sadd.s32 s7, s5  }
0xd: {  	s15 =	sadd.s32 s15, s16;
	s16 =	simm.s32 $0x0;
	s5 =	sadd.s32 $0x17000, s7  }
0xe: {  	s6 =	sadd.s32 $0xD000, s7;
	s7 =	sadd.s32 $0x48800, s11;
	s11 =	sor.u32 $0x1C01, s31  }
.LBB2_1:
0xf: {  	[tilespmem:s3], [sflag:$0x1] =	stream.linear.gather [hbm4b:s5+s3], $0x2780, $0x38;
	[tilespmem:$0x1CC00] =	vst v63  }
0x10: {  	_ =	swait.ge [sflag:s9], $0x2780  }
0x11: {  	[sflag:s9] =	ssyncset.done $0x0  }
0x12: {  	[sflag:s9] =	ssyncadd.s32 $0xFFFFD880  }
0x13: {  	[tilespmem:s10], [sflag:$0x1] =	stream.linear.gather [hbm4b:s6+s3], $0x2780, $0x38;
	[tilespmem:$0x1CC00] =	vst v63  }
0x14: {  	_ =	swait.ge [sflag:s9], $0x2780  }
0x15: {  	[sflag:s9] =	ssyncset.done $0x0  }
0x16: {  	[sflag:s9] =	ssyncadd.s32 $0xFFFFD880  }
0x17: {  	[spmem:s12], [sflag:s11] =	dma.local [hbm:s7], $0x2780  }
0x18: {  	_ =	swait.ge [sflag:s9], $0x2780  }
0x19: {  	[sflag:s9] =	ssyncset.done $0x0  }
0x1a: {  	[sflag:s9] =	ssyncadd.s32 $0xFFFFD880  }
0x1b: {  	s17 =	simm.s32 $0x0;
	[bflag:$0x0] =	sbarrier.arrive $0xFFFF  }
0x1c: {  	[tilespmem:s14], [sflag:$0x1] =	stream.indirect.gather [hbm4b:s4+s13], $0x80, s17, s13, $0xb8;
	[tilespmem:$0x1CC00] =	vst v63  }
0x1d: {  	_ =	swait.ge [sflag:s9], $0x4000  }
0x1e: {  	[sflag:s9] =	ssyncset.done $0x0  }
0x1f: {  	s31 =	simm.s32 $0x2800;
	[sflag:s9] =	ssyncadd.s32 $0xFFFFC000  }
0x20: {  	[spmem:s2] =	stream.indirect.scatter.add.f32 [tilespmem:s14], [sflag:$0x1], $0x80, s31, s13, $0xb8;
	[tilespmem:$0x1CC00] =	vst v63  }
0x21: {  	_ =	swait.ge [sflag:s9], $0x4000  }
0x22: {  	s18 =	simm.s32 $0x400;
	s17 =	simm.s32 $0x200;
	[sflag:s9] =	ssyncset.done $0x0  }
.LBB2_2:
0x23: {  	s19 =	sshra.s32 s17, $0x2  }
0x24: {  	[sflag:s9] =	ssyncadd.s32 $0xFFFFC000;
	s17 =	smov.u32 s18;
	s20 =	sadd.s32 $0x200, s18  }
0x25: {  	[tilespmem:s14], [sflag:$0x1] =	stream.indirect.gather [hbm4b:s4+s13], $0x80, s19, s13, $0xb8;
	[tilespmem:$0x1CC00] =	vst v63  }
0x26: {  	p0 =	sne.s32 s18, $0x9C00;
	_ =	swait.ge [sflag:s9], $0x4000  }
.Ltmp0:
0x27: {  	[sflag:s9] =	ssyncset.done $0x0;
	(pc) =	sbr.rel @p0 .LBB2_2-.Ltmp0, $4  }
0x28: {  	s18 =	sadd.s32 $0x2800, s19;
	[sflag:s9] =	ssyncadd.s32 $0xFFFFC000  }
0x29: {  	[spmem:s2] =	stream.indirect.scatter.add.f32 [tilespmem:s14], [sflag:$0x1], $0x80, s18, s13, $0xb8;
	[tilespmem:$0x1CC00] =	vst v63  }
0x2a: {  	_ =	swait.ge [sflag:s9], $0x4000  }
0x2b: {  	s18 =	smov.u32 s20;
	[sflag:s9] =	ssyncset.done $0x0  }
0x2c: {  	s17 =	sshra.s32 s17, $0x2;
	[sflag:s9] =	ssyncadd.s32 $0xFFFFC000  }
0x2d: {  	[tilespmem:s14], [sflag:$0x1] =	stream.indirect.gather [hbm4b:s4+s13], $0x80, s17, s13, $0xb8;
	[tilespmem:$0x1CC00] =	vst v63  }
0x2e: {  	_ =	swait.ge [sflag:s9], $0x4000  }
0x2f: {  	[sflag:s9] =	ssyncset.done $0x0  }
0x30: {  	s17 =	sadd.s32 $0x2800, s17;
	[sflag:s9] =	ssyncadd.s32 $0xFFFFC000  }
0x31: {  	[spmem:s2] =	stream.indirect.scatter.add.f32 [tilespmem:s14], [sflag:$0x1], $0x80, s17, s13, $0xb8;
	[tilespmem:$0x1CC00] =	vst v63  }
0x32: {  	_ =	swait.ge [sflag:s9], $0x4000  }
0x33: {  	s16 =	sadd.s32 $0x1, s16;
	[sflag:s9] =	ssyncset.done $0x0  }
0x34: {  	p0 =	sne.s32 s16, s8;
	[sflag:s9] =	ssyncadd.s32 $0xFFFFC000  }
.Ltmp1:
0x35: {  	[bflag:$0x0] =	sbarrier.arrive $0xFFFF;
	(pc) =	sbr.rel @p0 .LBB2_1-.Ltmp1, $4  }
0x36: {  	[hbm:s15], [sflag:s11] =	dma.local [spmem:s12], $0x2780  }
0x37: {  	_ =	swait.ge [sflag:s9], $0x2780  }
0x38: {  	[sflag:s9] =	ssyncset.done $0x0  }
0x39: {  	[sflag:s9] =	ssyncadd.s32 $0xFFFFD880  }
0x3a: {  	_ =	sfence.sel $0x180000  }
0x3b: {  	[bflag:$0x0] =	sbarrier.arrive $0xFFFF  }
0x3c: {  	p0 =	sne.s32 s1, $0x0;
	_ =	strace $0x9000004A  }
0x3d: {  	s0 =	sadd.s32 @!p0 $0x100000, s0;
	[bflag:$0x2] =	sbarrier.arrive $0xFFFF  }
0x3e: {  	[sflag:s0] =	ssyncadd.tile.s32 @!p0 $0x1;
	_ =	shalt  }
.Lfunc_end2:
_tile_overlayer_lowered:
.L_overlay_start_2:
0x3f: {  	(tag) =	ssettag $0x2  }
0x40: {  	s0 =	rddreg [dreg:$0x0];
	s2 =	stileid.u32  }
0x41: {  	s1 =	rddreg [dreg:$0x1];
	p0 =	sne.s32 s2, $0x0  }
0x42: {  	s3 =	rddreg [dreg:$0x2];
	[bflag:$0x3] =	sbarrier.arrive $0xFFFF;
	s2 =	simm.s32 @!p0 $0x1C01  }
0x43: {  	[timem:s3], [sflag:s2] =	dma.local @!p0 [hbm:s0], s1  }
0x44: {  	s0 =	simm.s32 @!p0 $0x1  }
0x45: {  	_ =	swait.ge @!p0 [sflag:s0], s1  }
0x46: {  	s1 =	ssub.s32 @!p0 $0x0, s1;
	[sflag:s0] =	ssyncset.done @!p0 $0x0  }
0x47: {  	[sflag:s0] =	ssyncadd.s32 @!p0 s1  }
0x48: {  	[bflag:$0x3] =	sbarrier.arrive $0xFFFF  }
0x49: {  	_ =	shalt  }

// kernel: kernel.16.cloned.1.call-start
scs
__scs_entry_jumppad:
0x0: {  	(pc) =	sbr.rel $0x88, $3  }
0x1: {  	(tag) =	ssettag $0x0;
	lr =	simm.s32 $0x1  }
0x2: {  	[smem:$0x3F9B] =	sst lr;
	_ =	strace $0xD0000000  }
0x3: {  	_ = 	snop  }
0x4: {  	_ = 	snop  }
0x5: {  	_ = 	snop  }
0x6: {  	_ = 	snop  }
0x7: {  	_ = 	snop  }
__scs_overlays_trampoline_lowered:
0x8: {  	[smem:$0x3FAA] =	sst s0  }
0x9: {  	[smem:$0x3FAB] =	sst s1  }
0xa: {  	[smem:$0x3FAC] =	sst s2  }
0xb: {  	[smem:$0x3FAD] =	sst s3  }
0xc: {  	[smem:$0x3FAE] =	sst s4  }
0xd: {  	[smem:$0x3FAF] =	sst s5  }
0xe: {  	[smem:$0x3FB0] =	sst s6  }
0xf: {  	[smem:$0x3FB1] =	sst s7  }
0x10: {  	[smem:$0x3FB2] =	sst s8  }
0x11: {  	[smem:$0x3FB3] =	sst s9;
	s0 =	simm.s32 @!p0 $0x0  }
0x12: {  	s1 =	sld [smem:$0x3F99];
	s0 =	simm.s32 @p0 $0x1  }
0x13: {  	[smem:$0x3FB4] =	sst s0;
	s0 =	simm.s32 @!p1 $0x0  }
0x14: {  	s2 =	sld [smem:$0x3F98];
	s0 =	simm.s32 @p1 $0x1  }
0x15: {  	[smem:$0x3FB5] =	sst s0;
	s0 =	simm.s32 @!p2 $0x0  }
0x16: {  	s3 =	sld [smem:$0x3FDB];
	s0 =	simm.s32 @p2 $0x1  }
0x17: {  	s4 =	simm.s32 $0x1BF5;
	[smem:$0x3FB7] =	sst s0  }
0x18: {  	s0 =	sld [smem:$0x3F9A];
	_ =	swait.ge [sflag:s4], $0x0  }
0x19: {  	s7 =	sld [smem:$0x3F9B]  }
0x1a: {  	s8 =	sadd.s32 $0xFFFFE003, lr  }
0x1b: {  	s9 =	sadd.s32 $0xFFFFFEF7, lr;
	s5 =	simm.s32 $0xFFFFFFFF;
	p2 =	slt.u32 s8, $0xFFFFF086  }
0x1c: {  	p1 =	slt.u32 s9, $0xF7A;
	s5 =	simm.s32 @!p2 $0x0  }
0x1d: {  	s5 =	simm.s32 @p1 $0x1;
	p0 =	seq.s32 s7, s2  }
0x1e: {  	s7 =	smul.u32 @!p0 $0xF7A, s2;
	p2 =	seq.s32 @!p0 s5, $0x0  }
0x1f: {  	s9 =	smul.u32 $0xF7A, s1;
	s8 =	simm.s32 @!p0 $0x1BF5;
	p2 =	por !p2, p0  }
0x20: {  	[sflag:s8] =	ssyncset.s32 @!p0 $0xFFFFF086;
	s6 =	sadd.s32 @!p0 s3, s7;
	s7 =	simm.s32 @!p0 $0x108  }
0x21: {  	s3 =	sadd.s32 s3, s9;
	s6 =	sadd.s32 @!p0 $0x88, s6;
	s7 =	simm.s32 @p2 $0x1082  }
0x22: {  	[simem:s7], [sflag:s8] =	dma.local @!p0 [hbm:s6], $0xF7A  }
0x23: {  	s9 =	sor.u32 $0xD0000000, s2;
	s6 =	simm.s32 $0x108;
	_ =	swait.ge @!p0 [sflag:s8], $0x0  }
0x24: {  	s3 =	sadd.s32 $0x88, s3;
	s6 =	simm.s32 @!p1 $0x1082;
	[sflag:s4] =	ssyncset.s32 $0xFFFFF086  }
0x25: {  	[simem:s6], [sflag:s4] =	dma.local [hbm:s3], $0xF7A  }
0x26: {  	[smem:$0x3F9B] =	sst s1;
	(tag) =	ssettag s2;
	_ =	strace s9  }
0x27: {  	s1 =	sld [smem:$0x3FAB]  }
0x28: {  	s2 =	sld [smem:$0x3FAC]  }
0x29: {  	s4 =	sld [smem:$0x3FAE]  }
0x2a: {  	p0 =	seq.s32 s5, $0x0;
	s5 =	sld [smem:$0x3FAF]  }
0x2b: {  	s6 =	sld [smem:$0x3FB0]  }
0x2c: {  	s7 =	sld [smem:$0x3FB1]  }
0x2d: {  	s3 =	simm.s32 $0x108;
	s8 =	sld [smem:$0x3FB2]  }
0x2e: {  	s3 =	simm.s32 @!p0 $0x1082;
	s9 =	sld [smem:$0x3FB3]  }
0x2f: {  	lr =	sadd.s32 s0, s3;
	s0 =	sld [smem:$0x3FAA]  }
0x30: {  	s3 =	sld [smem:$0x3FAD]  }
0x31: {  	[smem:$0x3FB6] =	sst s10  }
0x32: {  	s10 =	sld [smem:$0x3FB4];
	_ =	sdelay $0x3  }
0x33: {  	p0 =	seq.s32 s10, $0x1;
	s10 =	sld [smem:$0x3FB6];
	_ =	sdelay $0x3  }
0x34: {  	[smem:$0x3FB6] =	sst s10  }
0x35: {  	s10 =	sld [smem:$0x3FB5];
	_ =	sdelay $0x3  }
0x36: {  	p1 =	seq.s32 s10, $0x1;
	s10 =	sld [smem:$0x3FB6];
	_ =	sdelay $0x3  }
0x37: {  	[smem:$0x3FB6] =	sst s10  }
0x38: {  	s10 =	sld [smem:$0x3FB7]  }
0x39: {  	_ = 	snop;
	(pc) =	sbr.ind lr, $3  }
0x3a: {  	_ = 	snop  }
0x3b: {  	_ = 	snop  }
0x3c: {  	p2 =	seq.s32 s10, $0x1;
	s10 =	sld [smem:$0x3FB6]  }
0x3d: {  	_ =	shalt  }
0x3e: {  	_ =	shalt  }
0x3f: {  	_ =	shalt  }
0x40: {  	_ =	shalt  }
0x41: {  	_ =	shalt  }
0x42: {  	_ =	shalt  }
0x43: {  	_ =	shalt  }
0x44: {  	_ =	shalt  }
0x45: {  	_ =	shalt  }
0x46: {  	_ =	shalt  }
0x47: {  	_ =	shalt  }
0x48: {  	_ =	shalt  }
0x49: {  	_ =	shalt  }
0x4a: {  	_ =	shalt  }
0x4b: {  	_ =	shalt  }
0x4c: {  	_ =	shalt  }
0x4d: {  	_ =	shalt  }
0x4e: {  	_ =	shalt  }
0x4f: {  	_ =	shalt  }
0x50: {  	_ =	shalt  }
0x51: {  	_ =	shalt  }
0x52: {  	_ =	shalt  }
0x53: {  	_ =	shalt  }
0x54: {  	_ =	shalt  }
0x55: {  	_ =	shalt  }
0x56: {  	_ =	shalt  }
0x57: {  	_ =	shalt  }
0x58: {  	_ =	shalt  }
0x59: {  	_ =	shalt  }
0x5a: {  	_ =	shalt  }
0x5b: {  	_ =	shalt  }
0x5c: {  	_ =	shalt  }
0x5d: {  	_ =	shalt  }
0x5e: {  	_ =	shalt  }
0x5f: {  	_ =	shalt  }
0x60: {  	_ =	shalt  }
0x61: {  	_ =	shalt  }
0x62: {  	_ =	shalt  }
0x63: {  	_ =	shalt  }
0x64: {  	_ =	shalt  }
0x65: {  	_ =	shalt  }
0x66: {  	_ =	shalt  }
0x67: {  	_ =	shalt  }
0x68: {  	_ =	shalt  }
0x69: {  	_ =	shalt  }
0x6a: {  	_ =	shalt  }
0x6b: {  	_ =	shalt  }
0x6c: {  	_ =	shalt  }
0x6d: {  	_ =	shalt  }
0x6e: {  	_ =	shalt  }
0x6f: {  	_ =	shalt  }
0x70: {  	_ =	shalt  }
0x71: {  	_ =	shalt  }
0x72: {  	_ =	shalt  }
0x73: {  	_ =	shalt  }
0x74: {  	_ =	shalt  }
0x75: {  	_ =	shalt  }
0x76: {  	_ =	shalt  }
0x77: {  	_ =	shalt  }
0x78: {  	_ =	shalt  }
0x79: {  	_ =	shalt  }
0x7a: {  	_ =	shalt  }
0x7b: {  	_ =	shalt  }
0x7c: {  	_ =	shalt  }
0x7d: {  	_ =	shalt  }
0x7e: {  	_ =	shalt  }
0x7f: {  	_ =	shalt  }
0x80: {  	_ =	shalt  }
0x81: {  	_ =	shalt  }
0x82: {  	_ =	shalt  }
0x83: {  	_ =	shalt  }
0x84: {  	_ =	shalt  }
0x85: {  	_ =	shalt  }
0x86: {  	_ =	shalt  }
0x87: {  	_ =	shalt  }
.Lfunc_end0:
.L_simem_size_0:
called_computation.2_lowered:
.L_overlay_start_0:
0x88: {  	s2 =	sld [smem:$0x3FD9]  }
0x89: {  	s3 =	sld [smem:$0x3FFE];
	_ =	sdelay $0x1  }
0x8a: {  	s1 =	srdreg.scid  }
0x8b: {  	s0 =	sand.u32 $0x1, s1  }
0x8c: {  	s17 =	sshll.u32 s0, $0xA;
	s2 =	sadd.s32 s3, s2  }
0x8d: {  	s2 =	sadd.s32 s2, s17  }
0x8e: {  	[smem:$0x3FC2] =	sst s2  }
0x8f: {  	_ = 	snop  }
0x90: {  	s2 =	sld [smem:$0x3FD0];
	(tm) =	ssettm $0x1  }
0x91: {  	s18 =	sld [smem:$0x3FFB];
	_ =	sdelay $0x3  }
0x92: {  	_ =	strace s18  }
0x93: {  	s3 =	sld [smem:$0x3FFC];
	_ =	sdelay $0x3  }
0x94: {  	_ =	strace s3  }
0x95: {  	s3 =	sld [smem:$0x3FFD];
	_ =	sdelay $0x3  }
0x96: {  	_ =	strace s3  }
0x97: {  	_ =	strace $0x8FFFFFFF  }
0x98: {  	s19 =	sld [smem:$0x3FDB];
	_ =	sdelay $0x1  }
0x99: {  	s4 =	simm.s32 $_scs_section_size  }
0x9a: {  	s5 =	simm.s32 $_size__tile_overlayer_lowered;
	s6 =	simm.s32 $_tile_overlayer_lowered  }
0x9b: {  	s22 =	simm.s32 $0x1BFF;
	s21 =	sshll.u32 s6, $0x1;
	s3 =	sadd.s32 s4, s19  }
0x9c: {  	s7 =	simm.s32 $0x0;
	s20 =	sshll.u32 s5, $0x1;
	s5 =	sadd.s32 s21, s3  }
0x9d: {  	[timem:s7], [sflag:s22] =	dma.local [hbm:s5], s20  }
0x9e: {  	_ =	swait.ge [sflag:s22], s20  }
0x9f: {  	s4 =	ssub.s32 $0x0, s20;
	[sflag:s22] =	ssyncset.done $0x0  }
0xa0: {  	[sflag:s22] =	ssyncadd.s32 s4;
	_ =	sdelay $0x1  }
0xa1: {  	s23 =	simm.s32 $0x1B8B  }
0xa2: {  	_ =	swait.ge [sflag:s23], $0x1  }
0xa3: {  	[sflag:s23] =	ssyncset.done $0x0  }
0xa4: {  	s25 =	simm.s32 $0x1B8E;
	s24 =	sld [smem:$0x3FFE];
	[sflag:s23] =	ssyncadd.s32 $0xFFFFFFFF  }
0xa5: {  	s26 =	simm.s32 $execute0_lowered;
	[smem:$0x3FD2] =	sst s25  }
0xa6: {  	s5 =	sshll.u32 s26, $0x1;
	_ =	strace $0x8000004C;
	[dreg:$0x1] =	wrdreg $0xFFFFFFFF  }
0xa7: {  	s28 =	simm.s32 $_size_execute0_lowered;
	s3 =	sadd.s32 s3, s5;
	[dreg:$0x0] =	wrdreg $0x0  }
0xa8: {  	s5 =	sshll.u32 s28, $0x1;
	[dreg:$0x2] =	wrdreg s3  }
0xa9: {  	[dreg:$0x3] =	wrdreg s5  }
0xaa: {  	[dreg:$0x4] =	wrdreg $0xC0  }
0xab: {  	_ =	task [dreg:s7], $0x5FFFF  }
0xac: {  	[dreg:$0x1] =	wrdreg $0xFFFFFFFF  }
0xad: {  	[dreg:$0x0] =	wrdreg $0x60  }
0xae: {  	[dreg:$0x2] =	wrdreg s24  }
0xaf: {  	[dreg:$0x3] =	wrdreg s2  }
0xb0: {  	[dreg:$0x4] =	wrdreg $0x90000  }
0xb1: {  	[dreg:$0x5] =	wrdreg $0x9  }
0xb2: {  	_ =	task.clear_ibuf [dreg:s7], $0x6FFFF;
	_ =	strace $0x9000004C  }
0xb3: {  	s29 =	simm.s32 $0x9;
	_ =	strace $0x8000004E  }
0xb4: {  	_ =	swait.ge [sflag:s29], $0x1  }
0xb5: {  	[sflag:s29] =	ssyncadd.s32 $0xFFFFFFFF  }
0xb6: {  	_ =	strace $0x9000004E  }
0xb7: {  	_ =	sfence  }
0xb8: {  	s30 =	sld [smem:$0x0];
	_ =	sdelay $0x2  }
0xb9: {  	s31 =	sshll.u32 s1, $0xD;
	s1 =	sshrl.u32 s1, $0x2  }
0xba: {  	s3 =	sand.u32 $0x4000, s31;
	s1 =	sadd.s32 s1, s30  }
0xbb: {  	s0 =	sor.u32 s3, s0;
	s1 =	sshll.u32 s1, $0x11  }
0xbc: {  	s0 =	sor.u32 s1, s0  }
0xbd: {  	s0 =	sadd.s32 $0x8F2B, s0  }
0xbe: {  	[sflag:s0] =	ssyncadd.remote.s32 $0x1  }
0xbf: {  	_ =	sfence.sel $0xFFFF  }
0xc0: {  	[dreg:$0x0] =	wrdreg $0xFFFFFFFF;
	(pc) =	sbr.abs _section_cstart, $3  }
0xc1: {  	[dreg:$0x1] =	wrdreg $0xFFFFFFFF  }
0xc2: {  	_ =	task.clear_ibuf [dreg:s7], $0x2FFFF;
	_ =	strace $0x9FFFFFFF  }
0xc3: {  	(tm) =	ssettm $0x7FFFFFFF  }
tec
execute0_lowered:
.L_overlay_start_1:
0x0: {  	(tag) =	ssettag $0x1  }
0x1: {  	s5 =	rddreg [dreg:$0x0]  }
0x2: {  	s0 =	srdreg.scid;
	s8 =	rddreg [dreg:$0x1]  }
0x3: {  	s2 =	rddreg [dreg:$0x2];
	s1 =	stileid.u32  }
0x4: {  	s3 =	simm.s32 $0x0;
	s6 =	sand.u32 $0x1, s0;
	s0 =	rddreg [dreg:$0x3]  }
0x5: {  	s14 =	simm.s32 $0x5000;
	[smem:$0x7FF] =	sst s3;
	s15 =	smul.u32 $0x2780, s1  }
0x6: {  	s10 =	smul.u32 $0x4F000, s1;
	s31 =	sshll.u32 s1, $0x6;
	s4 =	sshll.u32 s6, $0x4  }
0x7: {  	_ =	strace $0x8000004D;
	s9 =	ssub.s32 $0x2, s6;
	s12 =	smul.u32 $0x27800, s6  }
0x8: {  	s4 =	sor.u32 s1, s4;
	s11 =	sadd.s32 s15, s5;
	s30 =	sshrl.u32 s9, $0x1  }
0x9: {  	s10 =	sshrl.u32 s10, $0x2;
	s7 =	smul.u32 $0x500, s4;
	s4 =	sadd.s32 $0x21000, s5  }
0xa: {  	s9 =	ssub.s32 s9, s30;
	s13 =	sadd.s32 s10, s2;
	s16 =	sadd.s32 s8, s12  }
0xb: {  	s10 =	simm.s32 $0x2800;
	s8 =	smax.u32 s9, $0x1;
	s9 =	simm.s32 $0x1  }
0xc: {  	s12 =	sshrl.u32 s13, $0x3;
	s13 =	simm.s32 $0x80;
	s7 =	sadd.s32 s7, s5  }
0xd: {  	s15 =	sadd.s32 s15, s16;
	s16 =	simm.s32 $0x0;
	s5 =	sadd.s32 $0x17000, s7  }
0xe: {  	s6 =	sadd.s32 $0xD000, s7;
	s7 =	sadd.s32 $0x48800, s11;
	s11 =	sor.u32 $0x1C01, s31  }
.LBB2_1:
0xf: {  	[tilespmem:s3], [sflag:$0x1] =	stream.linear.gather [hbm4b:s5+s3], $0x2780, $0x38;
	[tilespmem:$0x1CC00] =	vst v63  }
0x10: {  	_ =	swait.ge [sflag:s9], $0x2780  }
0x11: {  	[sflag:s9] =	ssyncset.done $0x0  }
0x12: {  	[sflag:s9] =	ssyncadd.s32 $0xFFFFD880  }
0x13: {  	[tilespmem:s10], [sflag:$0x1] =	stream.linear.gather [hbm4b:s6+s3], $0x2780, $0x38;
	[tilespmem:$0x1CC00] =	vst v63  }
0x14: {  	_ =	swait.ge [sflag:s9], $0x2780  }
0x15: {  	[sflag:s9] =	ssyncset.done $0x0  }
0x16: {  	[sflag:s9] =	ssyncadd.s32 $0xFFFFD880  }
0x17: {  	[spmem:s12], [sflag:s11] =	dma.local [hbm:s7], $0x2780  }
0x18: {  	_ =	swait.ge [sflag:s9], $0x2780  }
0x19: {  	[sflag:s9] =	ssyncset.done $0x0  }
0x1a: {  	[sflag:s9] =	ssyncadd.s32 $0xFFFFD880  }
0x1b: {  	s17 =	simm.s32 $0x0;
	[bflag:$0x0] =	sbarrier.arrive $0xFFFF  }
0x1c: {  	[tilespmem:s14], [sflag:$0x1] =	stream.indirect.gather [hbm4b:s4+s13], $0x80, s17, s13, $0xb8;
	[tilespmem:$0x1CC00] =	vst v63  }
0x1d: {  	_ =	swait.ge [sflag:s9], $0x4000  }
0x1e: {  	[sflag:s9] =	ssyncset.done $0x0  }
0x1f: {  	s31 =	simm.s32 $0x2800;
	[sflag:s9] =	ssyncadd.s32 $0xFFFFC000  }
0x20: {  	[spmem:s2] =	stream.indirect.scatter.add.f32 [tilespmem:s14], [sflag:$0x1], $0x80, s31, s13, $0xb8;
	[tilespmem:$0x1CC00] =	vst v63  }
0x21: {  	_ =	swait.ge [sflag:s9], $0x4000  }
0x22: {  	s18 =	simm.s32 $0x400;
	s17 =	simm.s32 $0x200;
	[sflag:s9] =	ssyncset.done $0x0  }
.LBB2_2:
0x23: {  	s19 =	sshra.s32 s17, $0x2  }
0x24: {  	[sflag:s9] =	ssyncadd.s32 $0xFFFFC000;
	s17 =	smov.u32 s18;
	s20 =	sadd.s32 $0x200, s18  }
0x25: {  	[tilespmem:s14], [sflag:$0x1] =	stream.indirect.gather [hbm4b:s4+s13], $0x80, s19, s13, $0xb8;
	[tilespmem:$0x1CC00] =	vst v63  }
0x26: {  	p0 =	sne.s32 s18, $0x9C00;
	_ =	swait.ge [sflag:s9], $0x4000  }
.Ltmp0:
0x27: {  	[sflag:s9] =	ssyncset.done $0x0;
	(pc) =	sbr.rel @p0 .LBB2_2-.Ltmp0, $4  }
0x28: {  	s18 =	sadd.s32 $0x2800, s19;
	[sflag:s9] =	ssyncadd.s32 $0xFFFFC000  }
0x29: {  	[spmem:s2] =	stream.indirect.scatter.add.f32 [tilespmem:s14], [sflag:$0x1], $0x80, s18, s13, $0xb8;
	[tilespmem:$0x1CC00] =	vst v63  }
0x2a: {  	_ =	swait.ge [sflag:s9], $0x4000  }
0x2b: {  	s18 =	smov.u32 s20;
	[sflag:s9] =	ssyncset.done $0x0  }
0x2c: {  	s17 =	sshra.s32 s17, $0x2;
	[sflag:s9] =	ssyncadd.s32 $0xFFFFC000  }
0x2d: {  	[tilespmem:s14], [sflag:$0x1] =	stream.indirect.gather [hbm4b:s4+s13], $0x80, s17, s13, $0xb8;
	[tilespmem:$0x1CC00] =	vst v63  }
0x2e: {  	_ =	swait.ge [sflag:s9], $0x4000  }
0x2f: {  	[sflag:s9] =	ssyncset.done $0x0  }
0x30: {  	s17 =	sadd.s32 $0x2800, s17;
	[sflag:s9] =	ssyncadd.s32 $0xFFFFC000  }
0x31: {  	[spmem:s2] =	stream.indirect.scatter.add.f32 [tilespmem:s14], [sflag:$0x1], $0x80, s17, s13, $0xb8;
	[tilespmem:$0x1CC00] =	vst v63  }
0x32: {  	_ =	swait.ge [sflag:s9], $0x4000  }
0x33: {  	s16 =	sadd.s32 $0x1, s16;
	[sflag:s9] =	ssyncset.done $0x0  }
0x34: {  	p0 =	sne.s32 s16, s8;
	[sflag:s9] =	ssyncadd.s32 $0xFFFFC000  }
.Ltmp1:
0x35: {  	[bflag:$0x0] =	sbarrier.arrive $0xFFFF;
	(pc) =	sbr.rel @p0 .LBB2_1-.Ltmp1, $4  }
0x36: {  	[hbm:s15], [sflag:s11] =	dma.local [spmem:s12], $0x2780  }
0x37: {  	_ =	swait.ge [sflag:s9], $0x2780  }
0x38: {  	[sflag:s9] =	ssyncset.done $0x0  }
0x39: {  	[sflag:s9] =	ssyncadd.s32 $0xFFFFD880  }
0x3a: {  	_ =	sfence.sel $0x180000  }
0x3b: {  	[bflag:$0x0] =	sbarrier.arrive $0xFFFF  }
0x3c: {  	p0 =	sne.s32 s1, $0x0;
	_ =	strace $0x9000004D  }
0x3d: {  	s0 =	sadd.s32 @!p0 $0x100000, s0;
	[bflag:$0x2] =	sbarrier.arrive $0xFFFF  }
0x3e: {  	[sflag:s0] =	ssyncadd.tile.s32 @!p0 $0x1;
	_ =	shalt  }
.Lfunc_end2:
_tile_overlayer_lowered:
.L_overlay_start_2:
0x3f: {  	(tag) =	ssettag $0x2  }
0x40: {  	s0 =	rddreg [dreg:$0x0];
	s2 =	stileid.u32  }
0x41: {  	s1 =	rddreg [dreg:$0x1];
	p0 =	sne.s32 s2, $0x0  }
0x42: {  	s3 =	rddreg [dreg:$0x2];
	[bflag:$0x3] =	sbarrier.arrive $0xFFFF;
	s2 =	simm.s32 @!p0 $0x1C01  }
0x43: {  	[timem:s3], [sflag:s2] =	dma.local @!p0 [hbm:s0], s1  }
0x44: {  	s0 =	simm.s32 @!p0 $0x1  }
0x45: {  	_ =	swait.ge @!p0 [sflag:s0], s1  }
0x46: {  	s1 =	ssub.s32 @!p0 $0x0, s1;
	[sflag:s0] =	ssyncset.done @!p0 $0x0  }
0x47: {  	[sflag:s0] =	ssyncadd.s32 @!p0 s1  }
0x48: {  	[bflag:$0x3] =	sbarrier.arrive $0xFFFF  }
0x49: {  	_ =	shalt  }

// kernel: kernel.8.cloned.1.call-start
scs
__scs_entry_jumppad:
0x0: {  	(pc) =	sbr.rel $0x88, $3  }
0x1: {  	(tag) =	ssettag $0x0;
	lr =	simm.s32 $0x1  }
0x2: {  	[smem:$0x3F9B] =	sst lr;
	_ =	strace $0xD0000000  }
0x3: {  	_ = 	snop  }
0x4: {  	_ = 	snop  }
0x5: {  	_ = 	snop  }
0x6: {  	_ = 	snop  }
0x7: {  	_ = 	snop  }
__scs_overlays_trampoline_lowered:
0x8: {  	[smem:$0x3FAA] =	sst s0  }
0x9: {  	[smem:$0x3FAB] =	sst s1  }
0xa: {  	[smem:$0x3FAC] =	sst s2  }
0xb: {  	[smem:$0x3FAD] =	sst s3  }
0xc: {  	[smem:$0x3FAE] =	sst s4  }
0xd: {  	[smem:$0x3FAF] =	sst s5  }
0xe: {  	[smem:$0x3FB0] =	sst s6  }
0xf: {  	[smem:$0x3FB1] =	sst s7  }
0x10: {  	[smem:$0x3FB2] =	sst s8  }
0x11: {  	[smem:$0x3FB3] =	sst s9;
	s0 =	simm.s32 @!p0 $0x0  }
0x12: {  	s1 =	sld [smem:$0x3F99];
	s0 =	simm.s32 @p0 $0x1  }
0x13: {  	[smem:$0x3FB4] =	sst s0;
	s0 =	simm.s32 @!p1 $0x0  }
0x14: {  	s2 =	sld [smem:$0x3F98];
	s0 =	simm.s32 @p1 $0x1  }
0x15: {  	[smem:$0x3FB5] =	sst s0;
	s0 =	simm.s32 @!p2 $0x0  }
0x16: {  	s3 =	sld [smem:$0x3FDB];
	s0 =	simm.s32 @p2 $0x1  }
0x17: {  	s4 =	simm.s32 $0x1BF5;
	[smem:$0x3FB7] =	sst s0  }
0x18: {  	s0 =	sld [smem:$0x3F9A];
	_ =	swait.ge [sflag:s4], $0x0  }
0x19: {  	s7 =	sld [smem:$0x3F9B]  }
0x1a: {  	s8 =	sadd.s32 $0xFFFFE003, lr  }
0x1b: {  	s9 =	sadd.s32 $0xFFFFFEF7, lr;
	s5 =	simm.s32 $0xFFFFFFFF;
	p2 =	slt.u32 s8, $0xFFFFF086  }
0x1c: {  	p1 =	slt.u32 s9, $0xF7A;
	s5 =	simm.s32 @!p2 $0x0  }
0x1d: {  	s5 =	simm.s32 @p1 $0x1;
	p0 =	seq.s32 s7, s2  }
0x1e: {  	s7 =	smul.u32 @!p0 $0xF7A, s2;
	p2 =	seq.s32 @!p0 s5, $0x0  }
0x1f: {  	s9 =	smul.u32 $0xF7A, s1;
	s8 =	simm.s32 @!p0 $0x1BF5;
	p2 =	por !p2, p0  }
0x20: {  	[sflag:s8] =	ssyncset.s32 @!p0 $0xFFFFF086;
	s6 =	sadd.s32 @!p0 s3, s7;
	s7 =	simm.s32 @!p0 $0x108  }
0x21: {  	s3 =	sadd.s32 s3, s9;
	s6 =	sadd.s32 @!p0 $0x88, s6;
	s7 =	simm.s32 @p2 $0x1082  }
0x22: {  	[simem:s7], [sflag:s8] =	dma.local @!p0 [hbm:s6], $0xF7A  }
0x23: {  	s9 =	sor.u32 $0xD0000000, s2;
	s6 =	simm.s32 $0x108;
	_ =	swait.ge @!p0 [sflag:s8], $0x0  }
0x24: {  	s3 =	sadd.s32 $0x88, s3;
	s6 =	simm.s32 @!p1 $0x1082;
	[sflag:s4] =	ssyncset.s32 $0xFFFFF086  }
0x25: {  	[simem:s6], [sflag:s4] =	dma.local [hbm:s3], $0xF7A  }
0x26: {  	[smem:$0x3F9B] =	sst s1;
	(tag) =	ssettag s2;
	_ =	strace s9  }
0x27: {  	s1 =	sld [smem:$0x3FAB]  }
0x28: {  	s2 =	sld [smem:$0x3FAC]  }
0x29: {  	s4 =	sld [smem:$0x3FAE]  }
0x2a: {  	p0 =	seq.s32 s5, $0x0;
	s5 =	sld [smem:$0x3FAF]  }
0x2b: {  	s6 =	sld [smem:$0x3FB0]  }
0x2c: {  	s7 =	sld [smem:$0x3FB1]  }
0x2d: {  	s3 =	simm.s32 $0x108;
	s8 =	sld [smem:$0x3FB2]  }
0x2e: {  	s3 =	simm.s32 @!p0 $0x1082;
	s9 =	sld [smem:$0x3FB3]  }
0x2f: {  	lr =	sadd.s32 s0, s3;
	s0 =	sld [smem:$0x3FAA]  }
0x30: {  	s3 =	sld [smem:$0x3FAD]  }
0x31: {  	[smem:$0x3FB6] =	sst s10  }
0x32: {  	s10 =	sld [smem:$0x3FB4];
	_ =	sdelay $0x3  }
0x33: {  	p0 =	seq.s32 s10, $0x1;
	s10 =	sld [smem:$0x3FB6];
	_ =	sdelay $0x3  }
0x34: {  	[smem:$0x3FB6] =	sst s10  }
0x35: {  	s10 =	sld [smem:$0x3FB5];
	_ =	sdelay $0x3  }
0x36: {  	p1 =	seq.s32 s10, $0x1;
	s10 =	sld [smem:$0x3FB6];
	_ =	sdelay $0x3  }
0x37: {  	[smem:$0x3FB6] =	sst s10  }
0x38: {  	s10 =	sld [smem:$0x3FB7]  }
0x39: {  	_ = 	snop;
	(pc) =	sbr.ind lr, $3  }
0x3a: {  	_ = 	snop  }
0x3b: {  	_ = 	snop  }
0x3c: {  	p2 =	seq.s32 s10, $0x1;
	s10 =	sld [smem:$0x3FB6]  }
0x3d: {  	_ =	shalt  }
0x3e: {  	_ =	shalt  }
0x3f: {  	_ =	shalt  }
0x40: {  	_ =	shalt  }
0x41: {  	_ =	shalt  }
0x42: {  	_ =	shalt  }
0x43: {  	_ =	shalt  }
0x44: {  	_ =	shalt  }
0x45: {  	_ =	shalt  }
0x46: {  	_ =	shalt  }
0x47: {  	_ =	shalt  }
0x48: {  	_ =	shalt  }
0x49: {  	_ =	shalt  }
0x4a: {  	_ =	shalt  }
0x4b: {  	_ =	shalt  }
0x4c: {  	_ =	shalt  }
0x4d: {  	_ =	shalt  }
0x4e: {  	_ =	shalt  }
0x4f: {  	_ =	shalt  }
0x50: {  	_ =	shalt  }
0x51: {  	_ =	shalt  }
0x52: {  	_ =	shalt  }
0x53: {  	_ =	shalt  }
0x54: {  	_ =	shalt  }
0x55: {  	_ =	shalt  }
0x56: {  	_ =	shalt  }
0x57: {  	_ =	shalt  }
0x58: {  	_ =	shalt  }
0x59: {  	_ =	shalt  }
0x5a: {  	_ =	shalt  }
0x5b: {  	_ =	shalt  }
0x5c: {  	_ =	shalt  }
0x5d: {  	_ =	shalt  }
0x5e: {  	_ =	shalt  }
0x5f: {  	_ =	shalt  }
0x60: {  	_ =	shalt  }
0x61: {  	_ =	shalt  }
0x62: {  	_ =	shalt  }
0x63: {  	_ =	shalt  }
0x64: {  	_ =	shalt  }
0x65: {  	_ =	shalt  }
0x66: {  	_ =	shalt  }
0x67: {  	_ =	shalt  }
0x68: {  	_ =	shalt  }
0x69: {  	_ =	shalt  }
0x6a: {  	_ =	shalt  }
0x6b: {  	_ =	shalt  }
0x6c: {  	_ =	shalt  }
0x6d: {  	_ =	shalt  }
0x6e: {  	_ =	shalt  }
0x6f: {  	_ =	shalt  }
0x70: {  	_ =	shalt  }
0x71: {  	_ =	shalt  }
0x72: {  	_ =	shalt  }
0x73: {  	_ =	shalt  }
0x74: {  	_ =	shalt  }
0x75: {  	_ =	shalt  }
0x76: {  	_ =	shalt  }
0x77: {  	_ =	shalt  }
0x78: {  	_ =	shalt  }
0x79: {  	_ =	shalt  }
0x7a: {  	_ =	shalt  }
0x7b: {  	_ =	shalt  }
0x7c: {  	_ =	shalt  }
0x7d: {  	_ =	shalt  }
0x7e: {  	_ =	shalt  }
0x7f: {  	_ =	shalt  }
0x80: {  	_ =	shalt  }
0x81: {  	_ =	shalt  }
0x82: {  	_ =	shalt  }
0x83: {  	_ =	shalt  }
0x84: {  	_ =	shalt  }
0x85: {  	_ =	shalt  }
0x86: {  	_ =	shalt  }
0x87: {  	_ =	shalt  }
.Lfunc_end0:
.L_simem_size_0:
called_computation_lowered:
.L_overlay_start_0:
0x88: {  	s2 =	sld [smem:$0x3FD9]  }
0x89: {  	s3 =	sld [smem:$0x3FFE];
	_ =	sdelay $0x1  }
0x8a: {  	s1 =	srdreg.scid  }
0x8b: {  	s0 =	sand.u32 $0x1, s1  }
0x8c: {  	s17 =	sshll.u32 s0, $0xA;
	s2 =	sadd.s32 s3, s2  }
0x8d: {  	s2 =	sadd.s32 s2, s17  }
0x8e: {  	[smem:$0x3FC2] =	sst s2  }
0x8f: {  	_ = 	snop  }
0x90: {  	s2 =	sld [smem:$0x3FD0];
	(tm) =	ssettm $0x1  }
0x91: {  	s18 =	sld [smem:$0x3FFB];
	_ =	sdelay $0x3  }
0x92: {  	_ =	strace s18  }
0x93: {  	s3 =	sld [smem:$0x3FFC];
	_ =	sdelay $0x3  }
0x94: {  	_ =	strace s3  }
0x95: {  	s3 =	sld [smem:$0x3FFD];
	_ =	sdelay $0x3  }
0x96: {  	_ =	strace s3  }
0x97: {  	_ =	strace $0x8FFFFFFF  }
0x98: {  	s19 =	sld [smem:$0x3FDB];
	_ =	sdelay $0x1  }
0x99: {  	s4 =	simm.s32 $_scs_section_size  }
0x9a: {  	s5 =	simm.s32 $_size__tile_overlayer_lowered;
	s6 =	simm.s32 $_tile_overlayer_lowered  }
0x9b: {  	s22 =	simm.s32 $0x1BFF;
	s21 =	sshll.u32 s6, $0x1;
	s3 =	sadd.s32 s4, s19  }
0x9c: {  	s7 =	simm.s32 $0x0;
	s20 =	sshll.u32 s5, $0x1;
	s5 =	sadd.s32 s21, s3  }
0x9d: {  	[timem:s7], [sflag:s22] =	dma.local [hbm:s5], s20  }
0x9e: {  	_ =	swait.ge [sflag:s22], s20  }
0x9f: {  	s4 =	ssub.s32 $0x0, s20;
	[sflag:s22] =	ssyncset.done $0x0  }
0xa0: {  	[sflag:s22] =	ssyncadd.s32 s4;
	_ =	sdelay $0x1  }
0xa1: {  	s23 =	simm.s32 $0x1B8B  }
0xa2: {  	_ =	swait.ge [sflag:s23], $0x1  }
0xa3: {  	[sflag:s23] =	ssyncset.done $0x0  }
0xa4: {  	s25 =	simm.s32 $0x1B8E;
	s24 =	sld [smem:$0x3FFE];
	[sflag:s23] =	ssyncadd.s32 $0xFFFFFFFF  }
0xa5: {  	s26 =	simm.s32 $execute0_lowered;
	[smem:$0x3FD2] =	sst s25  }
0xa6: {  	s5 =	sshll.u32 s26, $0x1;
	_ =	strace $0x80000046;
	[dreg:$0x1] =	wrdreg $0xFFFFFFFF  }
0xa7: {  	s28 =	simm.s32 $_size_execute0_lowered;
	s3 =	sadd.s32 s3, s5;
	[dreg:$0x0] =	wrdreg $0x0  }
0xa8: {  	s5 =	sshll.u32 s28, $0x1;
	[dreg:$0x2] =	wrdreg s3  }
0xa9: {  	[dreg:$0x3] =	wrdreg s5  }
0xaa: {  	[dreg:$0x4] =	wrdreg $0xC0  }
0xab: {  	_ =	task [dreg:s7], $0x5FFFF  }
0xac: {  	[dreg:$0x1] =	wrdreg $0xFFFFFFFF  }
0xad: {  	[dreg:$0x0] =	wrdreg $0x60  }
0xae: {  	[dreg:$0x2] =	wrdreg s2  }
0xaf: {  	[dreg:$0x3] =	wrdreg s24  }
0xb0: {  	[dreg:$0x4] =	wrdreg $0x9  }
0xb1: {  	_ =	task.clear_ibuf [dreg:s7], $0x5FFFF;
	_ =	strace $0x90000046  }
0xb2: {  	s29 =	simm.s32 $0x9;
	_ =	strace $0x80000048  }
0xb3: {  	_ =	swait.ge [sflag:s29], $0x1  }
0xb4: {  	[sflag:s29] =	ssyncadd.s32 $0xFFFFFFFF  }
0xb5: {  	_ =	strace $0x90000048  }
0xb6: {  	_ =	sfence  }
0xb7: {  	s30 =	sld [smem:$0x0];
	_ =	sdelay $0x2  }
0xb8: {  	s31 =	sshll.u32 s1, $0xD;
	s1 =	sshrl.u32 s1, $0x2  }
0xb9: {  	s3 =	sand.u32 $0x4000, s31;
	s1 =	sadd.s32 s1, s30  }
0xba: {  	s0 =	sor.u32 s3, s0;
	s1 =	sshll.u32 s1, $0x11  }
0xbb: {  	s0 =	sor.u32 s1, s0  }
0xbc: {  	s0 =	sadd.s32 $0x8F2B, s0  }
0xbd: {  	[sflag:s0] =	ssyncadd.remote.s32 $0x1  }
0xbe: {  	_ =	sfence.sel $0xFFFF  }
0xbf: {  	[dreg:$0x0] =	wrdreg $0xFFFFFFFF;
	(pc) =	sbr.abs _section_cstart, $3  }
0xc0: {  	[dreg:$0x1] =	wrdreg $0xFFFFFFFF  }
0xc1: {  	_ =	task.clear_ibuf [dreg:s7], $0x2FFFF;
	_ =	strace $0x9FFFFFFF  }
0xc2: {  	(tm) =	ssettm $0x7FFFFFFF  }
0xc3: {  	_ =	shalt  }
tec
execute0_lowered:
.L_overlay_start_1:
0x0: {  	(tag) =	ssettag $0x1  }
0x1: {  	s0 =	srdreg.scid  }
0x2: {  	s3 =	sand.u32 $0x1, s0  }
0x3: {  	s4 =	rddreg [dreg:$0x0];
	s0 =	stileid.u32;
	s1 =	sshll.u32 s3, $0x4  }
0x4: {  	s6 =	rddreg [dreg:$0x1];
	s2 =	simm.s32 $0x0;
	s1 =	sor.u32 s0, s1  }
0x5: {  	s8 =	simm.s32 $0x1;
	s9 =	simm.s32 $0x2780;
	s1 =	sshrl.u32 s1, $0x3  }
0x6: {  	s10 =	simm.s32 $0x0;
	s30 =	sshll.u32 s0, $0x7;
	s5 =	smul.u32 $0x13C00, s1  }
0x7: {  	[smem:$0x7FF] =	sst s2;
	s3 =	ssub.s32 $0x2, s3;
	s7 =	sand.u32 $0x380, s30  }
0x8: {  	s31 =	sshrl.u32 s3, $0x1;
	s1 =	rddreg [dreg:$0x2];
	s5 =	sor.u32 s7, s5  }
0x9: {  	_ =	strace $0x80000047;
	s7 =	ssub.s32 s3, s31;
	s5 =	sshrl.u32 s5, $0x3  }
0xa: {  	s6 =	sadd.s32 s5, s6;
	s3 =	sadd.s32 s4, s5;
	s5 =	smax.u32 s7, $0x1  }
0xb: {  	v0 =	vimm.f32 $0.0e+00;
	v1 =	vimm.f32 $1.000000000e+00;
	s7 =	simm.s32 $0x400;
	s4 =	sadd.s32 $0x3200, s6;
	s6 =	simm.s32 $0x80  }
.LBB2_1:
0xc: {  	[tilespmem:s2], [sflag:$0x1] =	stream.strided.gather [hbm4b:s3+s6], $0x2780, s7, s6, $0x38;
	[tilespmem:$0x4F00] =	vst v63  }
0xd: {  	_ =	swait.ge [sflag:s8], $0x2780  }
0xe: {  	[sflag:s8] =	ssyncset.done $0x0  }
0xf: {  	s11 =	simm.s32 $0x0;
	[sflag:s8] =	ssyncadd.s32 $0xFFFFD880  }
.LBB2_2:
0x10: {  	p0 =	sne.s32 s11, $0x9DC0  }
.Ltmp0:
0x11: {  	_ = 	snop;
	(pc) =	sbr.rel @p0 .LBB2_2-.Ltmp0, $3  }
0x12: {  	_ =	sdelay $0x1  }
0x13: {  	s12 =	sshra.s32 s11, $0x2  }
0x14: {  	s11 =	sadd.s32 $0x40, s11;
	[tilespmem:s12+$0x2780] =	vst v0  }
0x15: {  	s12 =	simm.s32 $0x0;
	s11 =	simm.s32 $0x40  }
.LBB2_4:
0x16: {  	p0 =	sne.s32 s11, $0x9DC0;
	v2 =	vld [tilespmem:s12+$0x0];
	_ =	sdelay $0x3  }
.Ltmp1:
0x17: {  	(pc) =	sbr.rel @p0 .LBB2_4-.Ltmp1, $2  }
0x18: {  	_ =	sdelay $0x2  }
0x19: {  	s12 =	sshra.s32 s11, $0x2;
	s11 =	sadd.s32 $0x40, s11;
	[tilespmem:v2+s9+$0x0] =	vst.idx.add.f32.msk $0xffff, v1  }
0x1a: {  	v2 =	vld [tilespmem:s12+$0x0];
	_ =	sdelay $0x5  }
0x1b: {  	s10 =	sadd.s32 $0x1, s10  }
0x1c: {  	p0 =	sne.s32 s10, s5  }
.Ltmp2:
0x1d: {  	[tilespmem:v2+s9+$0x0] =	vst.idx.add.f32.msk $0xffff, v1;
	(pc) =	sbr.rel @p0 .LBB2_1-.Ltmp2, $4  }
0x1e: {  	[hbm4b:s4+s6] =	stream.strided.scatter [tilespmem:s9], [sflag:$0x1], $0x2780, s7, s6, $0x38;
	[tilespmem:$0x4F00] =	vst v63  }
0x1f: {  	_ =	swait.ge [sflag:s8], $0x2780  }
0x20: {  	[sflag:s8] =	ssyncset.done $0x0  }
0x21: {  	[sflag:s8] =	ssyncadd.s32 $0xFFFFD880  }
0x22: {  	_ =	sfence.sel $0x180000  }
0x23: {  	[bflag:$0x0] =	sbarrier.arrive $0xFFFF  }
0x24: {  	p0 =	sne.s32 s0, $0x0;
	_ =	strace $0x90000047  }
0x25: {  	s0 =	sadd.s32 @!p0 $0x100000, s1;
	[bflag:$0x2] =	sbarrier.arrive $0xFFFF  }
0x26: {  	[sflag:s0] =	ssyncadd.tile.s32 @!p0 $0x1;
	_ =	shalt  }
.Lfunc_end2:
_tile_overlayer_lowered:
.L_overlay_start_2:
0x27: {  	(tag) =	ssettag $0x2  }
0x28: {  	s0 =	rddreg [dreg:$0x0];
	s2 =	stileid.u32  }
0x29: {  	s1 =	rddreg [dreg:$0x1];
	p0 =	sne.s32 s2, $0x0  }
0x2a: {  	s3 =	rddreg [dreg:$0x2];
	[bflag:$0x3] =	sbarrier.arrive $0xFFFF;
	s2 =	simm.s32 @!p0 $0x1C01  }
0x2b: {  	[timem:s3], [sflag:s2] =	dma.local @!p0 [hbm:s0], s1  }
0x2c: {  	s0 =	simm.s32 @!p0 $0x1  }
0x2d: {  	_ =	swait.ge @!p0 [sflag:s0], s1  }
0x2e: {  	s1 =	ssub.s32 @!p0 $0x0, s1;
	[sflag:s0] =	ssyncset.done @!p0 $0x0  }
0x2f: {  	[sflag:s0] =	ssyncadd.s32 @!p0 s1  }
0x30: {  	[bflag:$0x3] =	sbarrier.arrive $0xFFFF  }
0x31: {  	_ =	shalt  }

</sc_bundles>
